<compile_context>
chip_gen: v7x
topology: tpu7x:2x2x1
jax: 0.10.2.dev20260603
libtpu: 0.0.44.dev20260713+nightly
codegen_flags: <defaults>
</compile_context>

<pallas_src>
import functools

import jax
import jax.numpy as jnp
import numpy as np
from jax import lax
from jax.experimental import pallas as pl
from jax.experimental.pallas import tpu as pltpu
from jax.experimental.pallas import tpu_sc as plsc

N = 10000
NPAD = 10240
E = 160000
EP = 163840
NTILES = 32
NCHUNK = EP // (NTILES * 128)
ZR = NPAD // 16
NB = 2560

T0, TIN, HID, KS = 10, 2, 16, 3
TP = T0 - KS + 1
OUTF = 5
TQ = TP - KS + 1
FILT = 32
F1 = TP * HID
F2 = 32
FZ = TQ * FILT



def _sc_mesh():
    return plsc.VectorSubcoreMesh(core_axis_name="c", subcore_axis_name="s")


@functools.lru_cache(maxsize=None)
def _make_sc_gather_scatter(feat):

    @functools.partial(
        pl.kernel,
        out_type=jax.ShapeDtypeStruct((2, NPAD, feat), jnp.float32),
        mesh=_sc_mesh(),
        compiler_params=pltpu.CompilerParams(
            use_tc_tiling_on_sc=(feat % 128 == 0)),
        scratch_types=[
            pltpu.VMEM((NCHUNK, 128), jnp.int32),
            pltpu.VMEM((NCHUNK, 128), jnp.int32),
            pltpu.VMEM((128, feat), jnp.float32),
            pltpu.VMEM((128, feat), jnp.float32),
            pltpu.VMEM_SHARED((NPAD, feat), jnp.float32),
            pltpu.SemaphoreType.DMA,
            pltpu.SemaphoreType.DMA,
        ],
    )
    def k(u_hbm, row_hbm, col_hbm, zeros_hbm, out_hbm,
          row_v, col_v, buf0, buf1, acc, gs0, gs1):
        cid = lax.axis_index("c")
        sid = lax.axis_index("s")
        w = sid * 2 + cid
        pltpu.sync_copy(zeros_hbm.at[pl.ds(sid * ZR, ZR)], acc.at[pl.ds(sid * ZR, ZR)])
        pltpu.sync_copy(row_hbm.at[w], row_v)
        pltpu.sync_copy(col_hbm.at[w], col_v)
        plsc.subcore_barrier()

        pltpu.async_copy(u_hbm.at[row_v.at[0]], buf0, gs0)

        def body(i, carry):
            j0 = 2 * i
            j1 = 2 * i + 1
            pltpu.make_async_copy(u_hbm.at[row_v.at[j0]], buf0, gs0).wait()
            pltpu.async_copy(u_hbm.at[row_v.at[j1]], buf1, gs1)
            pltpu.sync_copy(buf0, acc.at[col_v.at[j0]], add=True)
            pltpu.make_async_copy(u_hbm.at[row_v.at[j1]], buf1, gs1).wait()

            @pl.when(i < NCHUNK // 2 - 1)
            def _():
                pltpu.async_copy(u_hbm.at[row_v.at[j0 + 2]], buf0, gs0)

            pltpu.sync_copy(buf1, acc.at[col_v.at[j1]], add=True)
            return carry

        lax.fori_loop(0, NCHUNK // 2, body, 0)
        plsc.subcore_barrier()
        pltpu.sync_copy(acc.at[pl.ds(sid * ZR, ZR)],
                        out_hbm.at[cid, pl.ds(sid * ZR, ZR)])

    return k


@functools.lru_cache(maxsize=None)
def _make_sc_degree():
    @functools.partial(
        pl.kernel,
        out_type=jax.ShapeDtypeStruct((2, NPAD, 16), jnp.float32),
        mesh=_sc_mesh(),
        compiler_params=pltpu.CompilerParams(use_tc_tiling_on_sc=False),
        scratch_types=[
            pltpu.VMEM((NCHUNK, 128), jnp.int32),
            pltpu.VMEM((128, 16), jnp.float32),
            pltpu.VMEM_SHARED((NPAD, 16), jnp.float32),
            pltpu.SemaphoreType.DMA,
        ],
    )
    def k(row_hbm, ones_hbm, zeros_hbm, out_hbm, row_v, ones_v, acc, sem):
        cid = lax.axis_index("c")
        sid = lax.axis_index("s")
        w = sid * 2 + cid
        pltpu.sync_copy(zeros_hbm.at[pl.ds(sid * ZR, ZR)], acc.at[pl.ds(sid * ZR, ZR)])
        pltpu.sync_copy(ones_hbm, ones_v)
        pltpu.sync_copy(row_hbm.at[w], row_v)
        plsc.subcore_barrier()

        def body(j, carry):
            pltpu.sync_copy(ones_v, acc.at[row_v.at[j]], add=True)
            return carry

        lax.fori_loop(0, NCHUNK, body, 0)
        plsc.subcore_barrier()
        pltpu.sync_copy(acc.at[pl.ds(sid * ZR, ZR)],
                        out_hbm.at[cid, pl.ds(sid * ZR, ZR)])

    return k


def _sc_degree(row3, ones16, zeros16):
    return _make_sc_degree()(row3, ones16, zeros16)


def _sc_g128(u, row3, col3, zeros):
    return _make_sc_gather_scatter(F1)(u, row3, col3, zeros)


def _sc_g32(u, row3, col3, zeros):
    return _make_sc_gather_scatter(F2)(u, row3, col3, zeros)



def _dis_from(degp):
    d = degp[0, :, 0:1] + degp[1, :, 0:1]
    return jnp.where(d > 0, lax.rsqrt(d), 0.0)


def _tc_a_body(xn, degp, w1p, b1p, w1q, b1q, w1r, b1r, u0_ref, t0_ref):
    x = xn[...]
    dis = _dis_from(degp[...])
    P = jnp.dot(x, w1p[...], preferred_element_type=jnp.float32) + b1p[...]
    Q = jnp.dot(x, w1q[...], preferred_element_type=jnp.float32) + b1q[...]
    Rm = jnp.dot(x, w1r[...], preferred_element_type=jnp.float32) + b1r[...]
    t0 = jax.nn.relu(P * jax.nn.sigmoid(Q) + Rm)
    t0_ref[...] = t0
    u0_ref[...] = dis * t0


def _tc_b_body(g1p, t0, degp, w0bd, w1bd, u1_ref, o01_ref):
    dis = _dis_from(degp[...])
    g1 = g1p[0] + g1p[1]
    tx1 = -dis * g1
    u1_ref[...] = dis * tx1
    o01_ref[...] = (
        jnp.dot(t0[...], w0bd[...], preferred_element_type=jnp.float32)
        + jnp.dot(tx1, w1bd[...], preferred_element_type=jnp.float32)
    )


def _tc_c_body(g2p, t0, o01, degp, bnp, w2bd, bch, w2p, b2p, w2q, b2q, w2r, b2r,
               h_ref, uh_ref):
    dis = _dis_from(degp[...])
    tx2 = -2.0 * dis * (g2p[0] + g2p[1]) - t0[...]
    gfull = jax.nn.relu(
        o01[...] + jnp.dot(tx2, w2bd[...], preferred_element_type=jnp.float32)
        + bch[...]
    )
    P2 = jnp.dot(gfull, w2p[...], preferred_element_type=jnp.float32) + b2p[...]
    Q2 = jnp.dot(gfull, w2q[...], preferred_element_type=jnp.float32) + b2q[...]
    R2 = jnp.dot(gfull, w2r[...], preferred_element_type=jnp.float32) + b2r[...]
    t2 = jax.nn.relu(P2 * jax.nn.sigmoid(Q2) + R2)
    mask = (lax.broadcasted_iota(jnp.int32, (1, F2), 1) < 30).astype(jnp.float32)
    mean = jnp.sum(t2, axis=1, keepdims=True) * (1.0 / 30.0)
    ctr = t2 - mean
    var = jnp.sum(ctr * ctr * mask, axis=1, keepdims=True) * (1.0 / 30.0)
    hh = ctr * lax.rsqrt(var + 1e-5)
    h = jax.nn.relu(hh * bnp[:, 0:1] + bnp[:, 1:2])
    h_ref[...] = h
    uh_ref[...] = dis * h


def _tc_d_body(h, ghp, degp, wz0, wz1, bz, wh0, wh1, bh, lwbd, blin, res_ref):
    dis = _dis_from(degp[...])
    ph = -dis * (ghp[0] + ghp[1])
    hv = h[...]
    Z = jax.nn.sigmoid(
        jnp.dot(hv, wz0[...], preferred_element_type=jnp.float32)
        + jnp.dot(ph, wz1[...], preferred_element_type=jnp.float32) + bz[...]
    )
    Ht = jnp.tanh(
        jnp.dot(hv, wh0[...], preferred_element_type=jnp.float32)
        + jnp.dot(ph, wh1[...], preferred_element_type=jnp.float32) + bh[...]
    )
    H = jax.nn.relu((1.0 - Z) * Ht)
    o = jnp.dot(H, lwbd[...], preferred_element_type=jnp.float32) + blin[...]
    mask6 = lax.broadcasted_iota(jnp.int32, (1, 8), 1) < TQ
    om = jnp.where(mask6, o, -1e30)
    mx = jnp.max(om, axis=1, keepdims=True)
    lse = jnp.log(jnp.sum(jnp.exp(om - mx), axis=1, keepdims=True)) + mx
    res_ref[...] = o - lse


def _node_spec(feat):
    return pl.BlockSpec((NB, feat), lambda i: (i, 0))


def _part_spec(feat):
    return pl.BlockSpec((2, NB, feat), lambda i: (0, i, 0))


def _full_spec(shape):
    nd = len(shape)
    return pl.BlockSpec(shape, lambda i: (0,) * nd)


def _tc_call(body, in_arrays, in_specs, out_feats):
    out_shape = [jax.ShapeDtypeStruct((NPAD, f), jnp.float32) for f in out_feats]
    out_specs = [_node_spec(f) for f in out_feats]
    res = pl.pallas_call(
        body,
        grid=(NPAD // NB,),
        in_specs=in_specs,
        out_specs=out_specs,
        out_shape=out_shape,
    )(*in_arrays)
    return res



def _big_conv_w(w, t_in, c_in, t_out, c_out, pad_to=None):
    rows, cols, oo, ii, kk = [], [], [], [], []
    for ti in range(t_out):
        for k in range(KS):
            for i in range(c_in):
                for o in range(c_out):
                    rows.append((ti + k) * c_in + i)
                    cols.append(ti * c_out + o)
                    oo.append(o)
                    ii.append(i)
                    kk.append(k)
    vals = w[np.array(oo), np.array(ii), 0, np.array(kk)]
    ncol = t_out * c_out if pad_to is None else pad_to
    big = jnp.zeros((t_in * c_in, ncol), jnp.float32)
    return big.at[np.array(rows), np.array(cols)].set(vals)


def _tile_bias(b, t_out, pad_to=None):
    v = jnp.tile(b, t_out)
    if pad_to is not None and pad_to > v.shape[0]:
        v = jnp.pad(v, (0, pad_to - v.shape[0]))
    return v.reshape(1, -1)


def _block_diag(wmat, t, pad_rows=None, pad_cols=None):
    bd = jnp.kron(jnp.eye(t, dtype=jnp.float32), wmat)
    pr = 0 if pad_rows is None else pad_rows - bd.shape[0]
    pc = 0 if pad_cols is None else pad_cols - bd.shape[1]
    if pr or pc:
        bd = jnp.pad(bd, ((0, pr), (0, pc)))
    return bd



def kernel(x, params, edge_index):
    p = params
    f32 = jnp.float32

    pad = jnp.full((EP - E,), N, dtype=jnp.int32)
    row3 = jnp.concatenate([edge_index[0], pad]).reshape(NTILES, NCHUNK, 128)
    col3 = jnp.concatenate([edge_index[1], pad]).reshape(NTILES, NCHUNK, 128)
    xn = jnp.transpose(x[0], (1, 0, 2)).reshape(N, T0 * TIN)
    xn = jnp.pad(xn, ((0, NPAD - N), (0, 0)))
    zeros128 = jnp.zeros((NPAD, F1), f32)
    zeros32 = jnp.zeros((NPAD, F2), f32)
    zeros16 = jnp.zeros((NPAD, 16), f32)
    ones16 = jnp.ones((128, 16), f32)
    bnp = jnp.zeros((NPAD, 16), f32)
    bnp = bnp.at[:N, 0].set(p["bn_w"]).at[:N, 1].set(p["bn_b"])

    w1p = _big_conv_w(p["tc1_w1"], T0, TIN, TP, HID)
    w1q = _big_conv_w(p["tc1_w2"], T0, TIN, TP, HID)
    w1r = _big_conv_w(p["tc1_w3"], T0, TIN, TP, HID)
    b1p = _tile_bias(p["tc1_b1"], TP)
    b1q = _tile_bias(p["tc1_b2"], TP)
    b1r = _tile_bias(p["tc1_b3"], TP)
    w0bd = _block_diag(p["cheb1_W"][0], TP)
    w1bd = _block_diag(p["cheb1_W"][1], TP)
    w2bd = _block_diag(p["cheb1_W"][2], TP)
    bch = _tile_bias(p["cheb1_b"], TP)
    w2p = _big_conv_w(p["tc2_w1"], TP, HID, TQ, OUTF, pad_to=F2)
    w2q = _big_conv_w(p["tc2_w2"], TP, HID, TQ, OUTF, pad_to=F2)
    w2r = _big_conv_w(p["tc2_w3"], TP, HID, TQ, OUTF, pad_to=F2)
    b2p = _tile_bias(p["tc2_b1"], TQ, pad_to=F2)
    b2q = _tile_bias(p["tc2_b2"], TQ, pad_to=F2)
    b2r = _tile_bias(p["tc2_b3"], TQ, pad_to=F2)
    wz0 = _block_diag(p["Wxz"][0], TQ, pad_rows=F2)
    wz1 = _block_diag(p["Wxz"][1], TQ, pad_rows=F2)
    bz = _tile_bias(p["bxz"] + p["bhz"], TQ)
    wh0 = _block_diag(p["Wxh"][0], TQ, pad_rows=F2)
    wh1 = _block_diag(p["Wxh"][1], TQ, pad_rows=F2)
    bh = _tile_bias(p["bxh"] + p["bhh"], TQ)
    lwbd = _block_diag(p["lin_W"], TQ, pad_cols=8)
    blin = jnp.broadcast_to(p["lin_b"], (8,)).reshape(1, 8)

    degp = _sc_degree(row3, ones16, zeros16)

    u0, t0 = _tc_call(
        _tc_a_body,
        [xn, degp, w1p, b1p, w1q, b1q, w1r, b1r],
        [_node_spec(T0 * TIN), _part_spec(16),
         _full_spec((T0 * TIN, F1)), _full_spec((1, F1)),
         _full_spec((T0 * TIN, F1)), _full_spec((1, F1)),
         _full_spec((T0 * TIN, F1)), _full_spec((1, F1))],
        [F1, F1],
    )

    g1p = _sc_g128(u0, row3, col3, zeros128)

    u1, o01 = _tc_call(
        _tc_b_body,
        [g1p, t0, degp, w0bd, w1bd],
        [_part_spec(F1), _node_spec(F1), _part_spec(16),
         _full_spec((F1, F1)), _full_spec((F1, F1))],
        [F1, F1],
    )

    g2p = _sc_g128(u1, row3, col3, zeros128)

    h, uh = _tc_call(
        _tc_c_body,
        [g2p, t0, o01, degp, bnp, w2bd, bch, w2p, b2p, w2q, b2q, w2r, b2r],
        [_part_spec(F1), _node_spec(F1), _node_spec(F1), _part_spec(16),
         _node_spec(16), _full_spec((F1, F1)), _full_spec((1, F1)),
         _full_spec((F1, F2)), _full_spec((1, F2)),
         _full_spec((F1, F2)), _full_spec((1, F2)),
         _full_spec((F1, F2)), _full_spec((1, F2))],
        [F2, F2],
    )

    ghp = _sc_g32(uh, row3, col3, zeros32)

    (res,) = _tc_call(
        _tc_d_body,
        [h, ghp, degp, wz0, wz1, bz, wh0, wh1, bh, lwbd, blin],
        [_node_spec(F2), _part_spec(F2), _part_spec(16),
         _full_spec((F2, FZ)), _full_spec((F2, FZ)), _full_spec((1, FZ)),
         _full_spec((F2, FZ)), _full_spec((F2, FZ)), _full_spec((1, FZ)),
         _full_spec((FZ, 8)), _full_spec((1, 8))],
        [8],
    )

    out = res[:N, :TQ]
    return jnp.transpose(out, (1, 0))[None, :, :, None]

# --- scband reference (transcript-rebuilt; emitter-appended) ---
"""Pipeline reference for scband-social-stgcn-79920751444229 (READ-ONLY COPY).

The authoritative reference and input builder live on the scoring server;
editing this copy changes nothing except your own understanding.
"""

import jax, jax.numpy as jnp
import numpy as np

B = 1
T = 10
N_NODES = 10000
E_EDGES = 160000
IN_FEAT = 2
HID = 16
OUT_FEAT = 5
KSIZE = 3
K_ST = 3
K_GRU = 2
FILTERS = 32

def _p(key, i, shape):
    return 0.1 * jax.random.normal(jax.random.fold_in(key, i), shape, dtype=jnp.float32)

def setup_inputs(seed: int = 0):
    key = jax.random.key(seed)
    x = jax.random.normal(jax.random.fold_in(key, 0), (B, T, N_NODES, IN_FEAT), dtype=jnp.float32)
    edge_index = jax.random.randint(jax.random.fold_in(key, 1), (2, E_EDGES), 0, N_NODES, dtype=jnp.int32)
    shapes = [
        ("tc1_w1", (HID, IN_FEAT, 1, KSIZE)), ("tc1_b1", (HID,)),
        ("tc1_w2", (HID, IN_FEAT, 1, KSIZE)), ("tc1_b2", (HID,)),
        ("tc1_w3", (HID, IN_FEAT, 1, KSIZE)), ("tc1_b3", (HID,)),
        ("cheb1_W", (K_ST, HID, HID)), ("cheb1_b", (HID,)),
        ("tc2_w1", (OUT_FEAT, HID, 1, KSIZE)), ("tc2_b1", (OUT_FEAT,)),
        ("tc2_w2", (OUT_FEAT, HID, 1, KSIZE)), ("tc2_b2", (OUT_FEAT,)),
        ("tc2_w3", (OUT_FEAT, HID, 1, KSIZE)), ("tc2_b3", (OUT_FEAT,)),
        ("Wxz", (K_GRU, OUT_FEAT, FILTERS)), ("bxz", (FILTERS,)),
        ("Whz", (K_GRU, FILTERS, FILTERS)), ("bhz", (FILTERS,)),
        ("Wxr", (K_GRU, OUT_FEAT, FILTERS)), ("bxr", (FILTERS,)),
        ("Whr", (K_GRU, FILTERS, FILTERS)), ("bhr", (FILTERS,)),
        ("Wxh", (K_GRU, OUT_FEAT, FILTERS)), ("bxh", (FILTERS,)),
        ("Whh", (K_GRU, FILTERS, FILTERS)), ("bhh", (FILTERS,)),
        ("lin_W", (FILTERS, 1)), ("lin_b", (1,)),
    ]
    params = {}
    for i, (name, shp) in enumerate(shapes):
        params[name] = _p(key, 100 + i, shp)
    params["bn_w"] = jnp.ones((N_NODES,), dtype=jnp.float32)
    params["bn_b"] = jnp.zeros((N_NODES,), dtype=jnp.float32)
    return {"x": x, "params": params, "edge_index": edge_index}

def _temporal_conv(x, w1, b1, w2, b2, w3, b3):
    xc = jnp.transpose(x, (0, 3, 2, 1))
    dn = ("NCHW", "OIHW", "NCHW")
    def conv(w, b):
        y = jax.lax.conv_general_dilated(xc, w, (1, 1), "VALID", dimension_numbers=dn)
        return y + b[None, :, None, None]
    P = conv(w1, b1)
    Q = jax.nn.sigmoid(conv(w2, b2))
    Rm = conv(w3, b3)
    H = jax.nn.relu(P * Q + Rm)
    return jnp.transpose(H, (0, 3, 2, 1))

def _cheb_norm(edge_index):
    row, col = edge_index[0], edge_index[1]
    ones = jnp.ones((row.shape[0],), dtype=jnp.float32)
    deg = jax.ops.segment_sum(ones, row, num_segments=N_NODES)
    dis = jnp.where(deg > 0, 1.0 / jnp.sqrt(deg), 0.0)
    nw = -dis[row] * dis[col]
    return row, col, nw

def _cheb_conv(xn, row, col, nw, W, b):
    def prop(t):
        msg = nw.reshape((-1,) + (1,) * (t.ndim - 1)) * t[row]
        return jax.ops.segment_sum(msg, col, num_segments=N_NODES)
    Tx0 = xn
    out = jnp.tensordot(Tx0, W[0], axes=[[-1], [0]])
    K = W.shape[0]
    if K > 1:
        Tx1 = prop(Tx0)
        out = out + jnp.tensordot(Tx1, W[1], axes=[[-1], [0]])
        for k in range(2, K):
            Tx2 = 2.0 * prop(Tx1) - Tx0
            out = out + jnp.tensordot(Tx2, W[k], axes=[[-1], [0]])
            Tx0, Tx1 = Tx1, Tx2
    return out + b

def _cheb_conv_bt(h, row, col, nw, W, b):
    hn = jnp.moveaxis(h, 2, 0)
    o = _cheb_conv(hn, row, col, nw, W, b)
    return jnp.moveaxis(o, 0, 2)

def _batch_norm_nodes(h, g, bvec):
    hp = jnp.transpose(h, (0, 2, 1, 3))
    mean = jnp.mean(hp, axis=(0, 2, 3), keepdims=True)
    var = jnp.var(hp, axis=(0, 2, 3), keepdims=True)
    hn = (hp - mean) / jnp.sqrt(var + 1e-5)
    hn = hn * g[None, :, None, None] + bvec[None, :, None, None]
    return jnp.transpose(hn, (0, 2, 1, 3))

def _forward(x, p, edge_index):
    row, col, nw = _cheb_norm(edge_index)
    t0 = _temporal_conv(x, p["tc1_w1"], p["tc1_b1"], p["tc1_w2"], p["tc1_b2"], p["tc1_w3"], p["tc1_b3"])
    g = jax.nn.relu(_cheb_conv_bt(t0, row, col, nw, p["cheb1_W"], p["cheb1_b"]))
    t2 = _temporal_conv(g, p["tc2_w1"], p["tc2_b1"], p["tc2_w2"], p["tc2_b2"], p["tc2_w3"], p["tc2_b3"])
    h = _batch_norm_nodes(t2, p["bn_w"], p["bn_b"])
    h = jax.nn.relu(h)
    H = jnp.zeros(h.shape[:-1] + (FILTERS,), dtype=h.dtype)
    Z = jax.nn.sigmoid(_cheb_conv_bt(h, row, col, nw, p["Wxz"], p["bxz"]) + _cheb_conv_bt(H, row, col, nw, p["Whz"], p["bhz"]))
    R = jax.nn.sigmoid(_cheb_conv_bt(h, row, col, nw, p["Wxr"], p["bxr"]) + _cheb_conv_bt(H, row, col, nw, p["Whr"], p["bhr"]))
    Ht = jnp.tanh(_cheb_conv_bt(h, row, col, nw, p["Wxh"], p["bxh"]) + _cheb_conv_bt(H * R, row, col, nw, p["Whh"], p["bhh"]))
    H = Z * H + (1.0 - Z) * Ht
    H = jax.nn.relu(H)
    out = jnp.tensordot(H, p["lin_W"], axes=[[-1], [0]]) + p["lin_b"]
    return jax.nn.log_softmax(out, axis=1)

def reference(x, params, edge_index):
    return _forward(x, params, edge_index)

if __name__ == "__main__":
    import jax
    _d = setup_inputs()
    print(jax.jit(kernel)(*tuple(_d.values())))

</pallas_src>

<mosaic_0001>
#map = affine_map<(d0, d1) -> (0, 0)>
#map1 = affine_map<(d0, d1) -> (0, 0, 0)>
module attributes {stable_mosaic.version = 14 : i64} {
  func.func @k(%arg0: i32, %arg1: i32, %arg2: memref<10240x32xf32, #tpu.memory_space<hbm>>, %arg3: memref<32x40x128xi32, #tpu.memory_space<hbm>>, %arg4: memref<32x40x128xi32, #tpu.memory_space<hbm>>, %arg5: memref<10240x32xf32, #tpu.memory_space<hbm>>, %arg6: memref<2x10240x32xf32, #tpu.memory_space<hbm>>, %arg7: memref<40x128xi32, #tpu.memory_space<vmem>>, %arg8: memref<40x128xi32, #tpu.memory_space<vmem>>, %arg9: memref<128x32xf32, #tpu.memory_space<vmem>>, %arg10: memref<128x32xf32, #tpu.memory_space<vmem>>, %arg11: memref<10240x32xf32, #tpu.memory_space<vmem_shared>>, %arg12: memref<!tpu.dma_semaphore, #tpu.memory_space<semaphore_mem>>, %arg13: memref<!tpu.dma_semaphore, #tpu.memory_space<semaphore_mem>>) attributes {dimension_semantics = [#tpu.dimension_semantics<core_parallel>, #tpu.dimension_semantics<subcore_parallel>], iteration_bounds = array<i64: 2, 16>, scalar_prefetch = 0 : i64, scratch_operands = 7 : i64, tpu.core_type = #tpu.core_type<sc_vector_subcore>, window_params = [{transform_indices = #map}, {transform_indices = #map1}, {transform_indices = #map1}, {transform_indices = #map}, {transform_indices = #map1}]} {
    %mul3A = arith.constant 2 : i32
    %mul3A_0 = arith.muli %arg1, %mul3A : i32
    %add3A = arith.addi %mul3A_0, %arg0 : i32
    %mul3A_1 = arith.constant 640 : i32
    %mul3A_2 = arith.muli %arg1, %mul3A_1 : i32
    %mul3A_3 = arith.constant 640 : i32
    %mul3A_4 = arith.muli %arg1, %mul3A_3 : i32
    "tpu.region"() ({
      %run_scoped3A = tpu.sem_alloc : memref<!tpu.dma_semaphore, #tpu.memory_space<semaphore_mem>>
      %dma_start3A_21 = arith.constant 0 : i32
      %dma_start3A_22 = tpu.memref_slice %arg11[%mul3A_4, %dma_start3A_21] : memref<10240x32xf32, #tpu.memory_space<vmem_shared>> -> memref<640x32xf32, #tpu.memory_space<vmem_shared>>
      %dma_start3A_23 = arith.constant 0 : i32
      %dma_start3A_24 = tpu.memref_slice %arg5[%mul3A_2, %dma_start3A_23] : memref<10240x32xf32, #tpu.memory_space<hbm>> -> memref<640x32xf32, #tpu.memory_space<hbm>>
      tpu.enqueue_dma source(%dma_start3A_24 : memref<640x32xf32, #tpu.memory_space<hbm>>) target(%dma_start3A_22 : memref<640x32xf32, #tpu.memory_space<vmem_shared>>) target_semaphore(%run_scoped3A : memref<!tpu.dma_semaphore, #tpu.memory_space<semaphore_mem>>)
      %dma_wait3A = arith.constant 0 : i32
      %dma_wait3A_25 = tpu.memref_slice %arg11[%mul3A_4, %dma_wait3A] : memref<10240x32xf32, #tpu.memory_space<vmem_shared>> -> memref<640x32xf32, #tpu.memory_space<vmem_shared>>
      %dma_wait3A_26 = arith.constant 0 : i32
      %dma_wait3A_27 = tpu.memref_slice %arg5[%mul3A_2, %dma_wait3A_26] : memref<10240x32xf32, #tpu.memory_space<hbm>> -> memref<640x32xf32, #tpu.memory_space<hbm>>
      tpu.wait_dma2 semaphore(%run_scoped3A : memref<!tpu.dma_semaphore, #tpu.memory_space<semaphore_mem>>) src(%dma_wait3A_27 : memref<640x32xf32, #tpu.memory_space<hbm>>) dst(%dma_wait3A_25 : memref<640x32xf32, #tpu.memory_space<vmem_shared>>)
      tpu.yield
    }) : () -> ()
    "tpu.region"() ({
      %run_scoped3A = tpu.sem_alloc : memref<!tpu.dma_semaphore, #tpu.memory_space<semaphore_mem>>
      %dma_start3A_21 = arith.constant 0 : i32
      %dma_start3A_22 = arith.constant 0 : i32
      %dma_start3A_23 = tpu.memref_slice %arg3[%add3A, %dma_start3A_21, %dma_start3A_22] : memref<32x40x128xi32, #tpu.memory_space<hbm>> -> memref<1x40x128xi32, #tpu.memory_space<hbm>>
      %dma_start3A_24 = tpu.memref_squeeze %dma_start3A_23 : memref<1x40x128xi32, #tpu.memory_space<hbm>> -> memref<40x128xi32, #tpu.memory_space<hbm>>
      %dma_start3A_25 = arith.constant 0 : i32
      %dma_start3A_26 = arith.constant 0 : i32
      %dma_start3A_27 = tpu.memref_slice %arg3[%add3A, %dma_start3A_25, %dma_start3A_26] : memref<32x40x128xi32, #tpu.memory_space<hbm>> -> memref<1x40x128xi32, #tpu.memory_space<hbm>>
      %dma_start3A_28 = tpu.memref_squeeze %dma_start3A_27 : memref<1x40x128xi32, #tpu.memory_space<hbm>> -> memref<40x128xi32, #tpu.memory_space<hbm>>
      tpu.enqueue_dma source(%dma_start3A_28 : memref<40x128xi32, #tpu.memory_space<hbm>>) target(%arg7 : memref<40x128xi32, #tpu.memory_space<vmem>>) target_semaphore(%run_scoped3A : memref<!tpu.dma_semaphore, #tpu.memory_space<semaphore_mem>>)
      %dma_wait3A = arith.constant 0 : i32
      %dma_wait3A_29 = arith.constant 0 : i32
      %dma_wait3A_30 = tpu.memref_slice %arg3[%add3A, %dma_wait3A, %dma_wait3A_29] : memref<32x40x128xi32, #tpu.memory_space<hbm>> -> memref<1x40x128xi32, #tpu.memory_space<hbm>>
      %dma_wait3A_31 = tpu.memref_squeeze %dma_wait3A_30 : memref<1x40x128xi32, #tpu.memory_space<hbm>> -> memref<40x128xi32, #tpu.memory_space<hbm>>
      %dma_wait3A_32 = arith.constant 0 : i32
      %dma_wait3A_33 = arith.constant 0 : i32
      %dma_wait3A_34 = tpu.memref_slice %arg3[%add3A, %dma_wait3A_32, %dma_wait3A_33] : memref<32x40x128xi32, #tpu.memory_space<hbm>> -> memref<1x40x128xi32, #tpu.memory_space<hbm>>
      %dma_wait3A_35 = tpu.memref_squeeze %dma_wait3A_34 : memref<1x40x128xi32, #tpu.memory_space<hbm>> -> memref<40x128xi32, #tpu.memory_space<hbm>>
      tpu.wait_dma2 semaphore(%run_scoped3A : memref<!tpu.dma_semaphore, #tpu.memory_space<semaphore_mem>>) src(%dma_wait3A_35 : memref<40x128xi32, #tpu.memory_space<hbm>>) dst(%arg7 : memref<40x128xi32, #tpu.memory_space<vmem>>)
      tpu.yield
    }) : () -> ()
    "tpu.region"() ({
      %run_scoped3A = tpu.sem_alloc : memref<!tpu.dma_semaphore, #tpu.memory_space<semaphore_mem>>
      %dma_start3A_21 = arith.constant 0 : i32
      %dma_start3A_22 = arith.constant 0 : i32
      %dma_start3A_23 = tpu.memref_slice %arg4[%add3A, %dma_start3A_21, %dma_start3A_22] : memref<32x40x128xi32, #tpu.memory_space<hbm>> -> memref<1x40x128xi32, #tpu.memory_space<hbm>>
      %dma_start3A_24 = tpu.memref_squeeze %dma_start3A_23 : memref<1x40x128xi32, #tpu.memory_space<hbm>> -> memref<40x128xi32, #tpu.memory_space<hbm>>
      %dma_start3A_25 = arith.constant 0 : i32
      %dma_start3A_26 = arith.constant 0 : i32
      %dma_start3A_27 = tpu.memref_slice %arg4[%add3A, %dma_start3A_25, %dma_start3A_26] : memref<32x40x128xi32, #tpu.memory_space<hbm>> -> memref<1x40x128xi32, #tpu.memory_space<hbm>>
      %dma_start3A_28 = tpu.memref_squeeze %dma_start3A_27 : memref<1x40x128xi32, #tpu.memory_space<hbm>> -> memref<40x128xi32, #tpu.memory_space<hbm>>
      tpu.enqueue_dma source(%dma_start3A_28 : memref<40x128xi32, #tpu.memory_space<hbm>>) target(%arg8 : memref<40x128xi32, #tpu.memory_space<vmem>>) target_semaphore(%run_scoped3A : memref<!tpu.dma_semaphore, #tpu.memory_space<semaphore_mem>>)
      %dma_wait3A = arith.constant 0 : i32
      %dma_wait3A_29 = arith.constant 0 : i32
      %dma_wait3A_30 = tpu.memref_slice %arg4[%add3A, %dma_wait3A, %dma_wait3A_29] : memref<32x40x128xi32, #tpu.memory_space<hbm>> -> memref<1x40x128xi32, #tpu.memory_space<hbm>>
      %dma_wait3A_31 = tpu.memref_squeeze %dma_wait3A_30 : memref<1x40x128xi32, #tpu.memory_space<hbm>> -> memref<40x128xi32, #tpu.memory_space<hbm>>
      %dma_wait3A_32 = arith.constant 0 : i32
      %dma_wait3A_33 = arith.constant 0 : i32
      %dma_wait3A_34 = tpu.memref_slice %arg4[%add3A, %dma_wait3A_32, %dma_wait3A_33] : memref<32x40x128xi32, #tpu.memory_space<hbm>> -> memref<1x40x128xi32, #tpu.memory_space<hbm>>
      %dma_wait3A_35 = tpu.memref_squeeze %dma_wait3A_34 : memref<1x40x128xi32, #tpu.memory_space<hbm>> -> memref<40x128xi32, #tpu.memory_space<hbm>>
      tpu.wait_dma2 semaphore(%run_scoped3A : memref<!tpu.dma_semaphore, #tpu.memory_space<semaphore_mem>>) src(%dma_wait3A_35 : memref<40x128xi32, #tpu.memory_space<hbm>>) dst(%arg8 : memref<40x128xi32, #tpu.memory_space<vmem>>)
      tpu.yield
    }) : () -> ()
    %barrier3A = arith.constant 0 : index
    tpu.barrier barrier_id(%barrier3A)
    %dma_start3A = arith.constant 0 : i32
    %dma_start3A_5 = arith.constant 0 : i32
    %dma_start3A_6 = tpu.memref_slice %arg7[%dma_start3A, %dma_start3A_5] : memref<40x128xi32, #tpu.memory_space<vmem>> -> memref<1x128xi32, #tpu.memory_space<vmem>>
    %dma_start3A_7 = tpu.memref_squeeze %dma_start3A_6 : memref<1x128xi32, #tpu.memory_space<vmem>> -> memref<128xi32, #tpu.memory_space<vmem>>
    %dma_start3A_8 = arith.constant 0 : i32
    %dma_start3A_9 = arith.constant 0 : i32
    %dma_start3A_10 = tpu.memref_slice %arg2[%dma_start3A_8, %dma_start3A_9] : memref<10240x32xf32, #tpu.memory_space<hbm>> -> memref<10240x32xf32, #tpu.memory_space<hbm>>
    tpu.enqueue_indirect_dma source(%dma_start3A_10 : memref<10240x32xf32, #tpu.memory_space<hbm>>) target(%arg9 : memref<128x32xf32, #tpu.memory_space<vmem>>) offsets(%dma_start3A_7 : memref<128xi32, #tpu.memory_space<vmem>>) semaphore(%arg12 : memref<!tpu.dma_semaphore, #tpu.memory_space<semaphore_mem>>)
    %scan3A = arith.constant 0 : i32
    %scan3A_11 = arith.constant 0 : i32
    %scan3A_12 = arith.constant 20 : i32
    %scan3A_13 = arith.addi %scan3A_11, %scan3A_12 : i32
    %scan3A_14 = arith.constant 1 : i32
    scf.for %scan3A_21 = %scan3A_11 to %scan3A_13 step %scan3A_14  : i32 {
      %mul3A_22 = arith.constant 2 : i32
      %mul3A_23 = arith.muli %mul3A_22, %scan3A_21 : i32
      %mul3A_24 = arith.constant 2 : i32
      %mul3A_25 = arith.muli %mul3A_24, %scan3A_21 : i32
      %add3A_26 = arith.constant 1 : i32
      %add3A_27 = arith.addi %mul3A_25, %add3A_26 : i32
      %dma_wait3A = arith.constant 0 : i32
      %dma_wait3A_28 = tpu.memref_slice %arg7[%mul3A_23, %dma_wait3A] : memref<40x128xi32, #tpu.memory_space<vmem>> -> memref<1x128xi32, #tpu.memory_space<vmem>>
      %dma_wait3A_29 = tpu.memref_squeeze %dma_wait3A_28 : memref<1x128xi32, #tpu.memory_space<vmem>> -> memref<128xi32, #tpu.memory_space<vmem>>
      %dma_wait3A_30 = arith.constant 0 : i32
      %dma_wait3A_31 = arith.constant 0 : i32
      %dma_wait3A_32 = tpu.memref_slice %arg2[%dma_wait3A_30, %dma_wait3A_31] : memref<10240x32xf32, #tpu.memory_space<hbm>> -> memref<10240x32xf32, #tpu.memory_space<hbm>>
      tpu.wait_indirect_dma semaphore(%arg12 : memref<!tpu.dma_semaphore, #tpu.memory_space<semaphore_mem>>) src(%dma_wait3A_32 : memref<10240x32xf32, #tpu.memory_space<hbm>>) dst(%arg9 : memref<128x32xf32, #tpu.memory_space<vmem>>)
      %dma_start3A_33 = arith.constant 0 : i32
      %dma_start3A_34 = tpu.memref_slice %arg7[%add3A_27, %dma_start3A_33] : memref<40x128xi32, #tpu.memory_space<vmem>> -> memref<1x128xi32, #tpu.memory_space<vmem>>
      %dma_start3A_35 = tpu.memref_squeeze %dma_start3A_34 : memref<1x128xi32, #tpu.memory_space<vmem>> -> memref<128xi32, #tpu.memory_space<vmem>>
      %dma_start3A_36 = arith.constant 0 : i32
      %dma_start3A_37 = arith.constant 0 : i32
      %dma_start3A_38 = tpu.memref_slice %arg2[%dma_start3A_36, %dma_start3A_37] : memref<10240x32xf32, #tpu.memory_space<hbm>> -> memref<10240x32xf32, #tpu.memory_space<hbm>>
      tpu.enqueue_indirect_dma source(%dma_start3A_38 : memref<10240x32xf32, #tpu.memory_space<hbm>>) target(%arg10 : memref<128x32xf32, #tpu.memory_space<vmem>>) offsets(%dma_start3A_35 : memref<128xi32, #tpu.memory_space<vmem>>) semaphore(%arg13 : memref<!tpu.dma_semaphore, #tpu.memory_space<semaphore_mem>>)
      "tpu.region"() ({
        %run_scoped3A = tpu.sem_alloc : memref<!tpu.dma_semaphore, #tpu.memory_space<semaphore_mem>>
        %dma_start3A_47 = arith.constant 0 : i32
        %dma_start3A_48 = tpu.memref_slice %arg8[%mul3A_23, %dma_start3A_47] : memref<40x128xi32, #tpu.memory_space<vmem>> -> memref<1x128xi32, #tpu.memory_space<vmem>>
        %dma_start3A_49 = tpu.memref_squeeze %dma_start3A_48 : memref<1x128xi32, #tpu.memory_space<vmem>> -> memref<128xi32, #tpu.memory_space<vmem>>
        %dma_start3A_50 = arith.constant 0 : i32
        %dma_start3A_51 = arith.constant 0 : i32
        %dma_start3A_52 = tpu.memref_slice %arg11[%dma_start3A_50, %dma_start3A_51] : memref<10240x32xf32, #tpu.memory_space<vmem_shared>> -> memref<10240x32xf32, #tpu.memory_space<vmem_shared>>
        tpu.enqueue_indirect_dma source(%arg9 : memref<128x32xf32, #tpu.memory_space<vmem>>) target(%dma_start3A_52 : memref<10240x32xf32, #tpu.memory_space<vmem_shared>>) offsets(%dma_start3A_49 : memref<128xi32, #tpu.memory_space<vmem>>) semaphore(%run_scoped3A : memref<!tpu.dma_semaphore, #tpu.memory_space<semaphore_mem>>) {add = true}
        %dma_wait3A_53 = arith.constant 0 : i32
        %dma_wait3A_54 = tpu.memref_slice %arg8[%mul3A_23, %dma_wait3A_53] : memref<40x128xi32, #tpu.memory_space<vmem>> -> memref<1x128xi32, #tpu.memory_space<vmem>>
        %dma_wait3A_55 = tpu.memref_squeeze %dma_wait3A_54 : memref<1x128xi32, #tpu.memory_space<vmem>> -> memref<128xi32, #tpu.memory_space<vmem>>
        %dma_wait3A_56 = arith.constant 0 : i32
        %dma_wait3A_57 = arith.constant 0 : i32
        %dma_wait3A_58 = tpu.memref_slice %arg11[%dma_wait3A_56, %dma_wait3A_57] : memref<10240x32xf32, #tpu.memory_space<vmem_shared>> -> memref<10240x32xf32, #tpu.memory_space<vmem_shared>>
        tpu.wait_indirect_dma semaphore(%run_scoped3A : memref<!tpu.dma_semaphore, #tpu.memory_space<semaphore_mem>>) src(%arg9 : memref<128x32xf32, #tpu.memory_space<vmem>>) dst(%dma_wait3A_58 : memref<10240x32xf32, #tpu.memory_space<vmem_shared>>)
        tpu.yield
      }) : () -> ()
      %dma_wait3A_39 = arith.constant 0 : i32
      %dma_wait3A_40 = tpu.memref_slice %arg7[%add3A_27, %dma_wait3A_39] : memref<40x128xi32, #tpu.memory_space<vmem>> -> memref<1x128xi32, #tpu.memory_space<vmem>>
      %dma_wait3A_41 = tpu.memref_squeeze %dma_wait3A_40 : memref<1x128xi32, #tpu.memory_space<vmem>> -> memref<128xi32, #tpu.memory_space<vmem>>
      %dma_wait3A_42 = arith.constant 0 : i32
      %dma_wait3A_43 = arith.constant 0 : i32
      %dma_wait3A_44 = tpu.memref_slice %arg2[%dma_wait3A_42, %dma_wait3A_43] : memref<10240x32xf32, #tpu.memory_space<hbm>> -> memref<10240x32xf32, #tpu.memory_space<hbm>>
      tpu.wait_indirect_dma semaphore(%arg13 : memref<!tpu.dma_semaphore, #tpu.memory_space<semaphore_mem>>) src(%dma_wait3A_44 : memref<10240x32xf32, #tpu.memory_space<hbm>>) dst(%arg10 : memref<128x32xf32, #tpu.memory_space<vmem>>)
      %lt3A = arith.constant 19 : i32
      %lt3A_45 = arith.cmpi slt, %scan3A_21, %lt3A : i32
      %convert_element_type3A = arith.extui %lt3A_45 : i1 to i32
      %cond3A = arith.constant 0 : i32
      %cond3A_46 = arith.cmpi ne, %convert_element_type3A, %cond3A : i32
      scf.if %cond3A_46 {
        %add3A_47 = arith.constant 2 : i32
        %add3A_48 = arith.addi %mul3A_23, %add3A_47 : i32
        %dma_start3A_49 = arith.constant 0 : i32
        %dma_start3A_50 = tpu.memref_slice %arg7[%add3A_48, %dma_start3A_49] : memref<40x128xi32, #tpu.memory_space<vmem>> -> memref<1x128xi32, #tpu.memory_space<vmem>>
        %dma_start3A_51 = tpu.memref_squeeze %dma_start3A_50 : memref<1x128xi32, #tpu.memory_space<vmem>> -> memref<128xi32, #tpu.memory_space<vmem>>
        %dma_start3A_52 = arith.constant 0 : i32
        %dma_start3A_53 = arith.constant 0 : i32
        %dma_start3A_54 = tpu.memref_slice %arg2[%dma_start3A_52, %dma_start3A_53] : memref<10240x32xf32, #tpu.memory_space<hbm>> -> memref<10240x32xf32, #tpu.memory_space<hbm>>
        tpu.enqueue_indirect_dma source(%dma_start3A_54 : memref<10240x32xf32, #tpu.memory_space<hbm>>) target(%arg9 : memref<128x32xf32, #tpu.memory_space<vmem>>) offsets(%dma_start3A_51 : memref<128xi32, #tpu.memory_space<vmem>>) semaphore(%arg12 : memref<!tpu.dma_semaphore, #tpu.memory_space<semaphore_mem>>)
      } else {
      }
      "tpu.region"() ({
        %run_scoped3A = tpu.sem_alloc : memref<!tpu.dma_semaphore, #tpu.memory_space<semaphore_mem>>
        %dma_start3A_47 = arith.constant 0 : i32
        %dma_start3A_48 = tpu.memref_slice %arg8[%add3A_27, %dma_start3A_47] : memref<40x128xi32, #tpu.memory_space<vmem>> -> memref<1x128xi32, #tpu.memory_space<vmem>>
        %dma_start3A_49 = tpu.memref_squeeze %dma_start3A_48 : memref<1x128xi32, #tpu.memory_space<vmem>> -> memref<128xi32, #tpu.memory_space<vmem>>
        %dma_start3A_50 = arith.constant 0 : i32
        %dma_start3A_51 = arith.constant 0 : i32
        %dma_start3A_52 = tpu.memref_slice %arg11[%dma_start3A_50, %dma_start3A_51] : memref<10240x32xf32, #tpu.memory_space<vmem_shared>> -> memref<10240x32xf32, #tpu.memory_space<vmem_shared>>
        tpu.enqueue_indirect_dma source(%arg10 : memref<128x32xf32, #tpu.memory_space<vmem>>) target(%dma_start3A_52 : memref<10240x32xf32, #tpu.memory_space<vmem_shared>>) offsets(%dma_start3A_49 : memref<128xi32, #tpu.memory_space<vmem>>) semaphore(%run_scoped3A : memref<!tpu.dma_semaphore, #tpu.memory_space<semaphore_mem>>) {add = true}
        %dma_wait3A_53 = arith.constant 0 : i32
        %dma_wait3A_54 = tpu.memref_slice %arg8[%add3A_27, %dma_wait3A_53] : memref<40x128xi32, #tpu.memory_space<vmem>> -> memref<1x128xi32, #tpu.memory_space<vmem>>
        %dma_wait3A_55 = tpu.memref_squeeze %dma_wait3A_54 : memref<1x128xi32, #tpu.memory_space<vmem>> -> memref<128xi32, #tpu.memory_space<vmem>>
        %dma_wait3A_56 = arith.constant 0 : i32
        %dma_wait3A_57 = arith.constant 0 : i32
        %dma_wait3A_58 = tpu.memref_slice %arg11[%dma_wait3A_56, %dma_wait3A_57] : memref<10240x32xf32, #tpu.memory_space<vmem_shared>> -> memref<10240x32xf32, #tpu.memory_space<vmem_shared>>
        tpu.wait_indirect_dma semaphore(%run_scoped3A : memref<!tpu.dma_semaphore, #tpu.memory_space<semaphore_mem>>) src(%arg10 : memref<128x32xf32, #tpu.memory_space<vmem>>) dst(%dma_wait3A_58 : memref<10240x32xf32, #tpu.memory_space<vmem_shared>>)
        tpu.yield
      }) : () -> ()
    }
    %scan3A_15 = arith.constant 20 : i32
    %barrier3A_16 = arith.constant 0 : index
    tpu.barrier barrier_id(%barrier3A_16)
    %mul3A_17 = arith.constant 640 : i32
    %mul3A_18 = arith.muli %arg1, %mul3A_17 : i32
    %mul3A_19 = arith.constant 640 : i32
    %mul3A_20 = arith.muli %arg1, %mul3A_19 : i32
    "tpu.region"() ({
      %run_scoped3A = tpu.sem_alloc : memref<!tpu.dma_semaphore, #tpu.memory_space<semaphore_mem>>
      %dma_start3A_21 = arith.constant 0 : i32
      %dma_start3A_22 = tpu.memref_slice %arg6[%arg0, %mul3A_20, %dma_start3A_21] : memref<2x10240x32xf32, #tpu.memory_space<hbm>> -> memref<1x640x32xf32, #tpu.memory_space<hbm>>
      %dma_start3A_23 = tpu.memref_squeeze %dma_start3A_22 : memref<1x640x32xf32, #tpu.memory_space<hbm>> -> memref<640x32xf32, #tpu.memory_space<hbm>>
      %dma_start3A_24 = arith.constant 0 : i32
      %dma_start3A_25 = tpu.memref_slice %arg11[%mul3A_18, %dma_start3A_24] : memref<10240x32xf32, #tpu.memory_space<vmem_shared>> -> memref<640x32xf32, #tpu.memory_space<vmem_shared>>
      tpu.enqueue_dma source(%dma_start3A_25 : memref<640x32xf32, #tpu.memory_space<vmem_shared>>) target(%dma_start3A_23 : memref<640x32xf32, #tpu.memory_space<hbm>>) target_semaphore(%run_scoped3A : memref<!tpu.dma_semaphore, #tpu.memory_space<semaphore_mem>>)
      %dma_wait3A = arith.constant 0 : i32
      %dma_wait3A_26 = tpu.memref_slice %arg6[%arg0, %mul3A_20, %dma_wait3A] : memref<2x10240x32xf32, #tpu.memory_space<hbm>> -> memref<1x640x32xf32, #tpu.memory_space<hbm>>
      %dma_wait3A_27 = tpu.memref_squeeze %dma_wait3A_26 : memref<1x640x32xf32, #tpu.memory_space<hbm>> -> memref<640x32xf32, #tpu.memory_space<hbm>>
      %dma_wait3A_28 = arith.constant 0 : i32
      %dma_wait3A_29 = tpu.memref_slice %arg11[%mul3A_18, %dma_wait3A_28] : memref<10240x32xf32, #tpu.memory_space<vmem_shared>> -> memref<640x32xf32, #tpu.memory_space<vmem_shared>>
      tpu.wait_dma2 semaphore(%run_scoped3A : memref<!tpu.dma_semaphore, #tpu.memory_space<semaphore_mem>>) src(%dma_wait3A_29 : memref<640x32xf32, #tpu.memory_space<vmem_shared>>) dst(%dma_wait3A_27 : memref<640x32xf32, #tpu.memory_space<hbm>>)
      tpu.yield
    }) : () -> ()
    return
  }
}

#map = affine_map<(d0, d1) -> (0, 0, 0)>
#map1 = affine_map<(d0, d1) -> (0, 0)>
module attributes {stable_mosaic.version = 14 : i64} {
  func.func @k(%arg0: i32, %arg1: i32, %arg2: memref<32x40x128xi32, #tpu.memory_space<hbm>>, %arg3: memref<128x16xf32, #tpu.memory_space<hbm>>, %arg4: memref<10240x16xf32, #tpu.memory_space<hbm>>, %arg5: memref<2x10240x16xf32, #tpu.memory_space<hbm>>, %arg6: memref<40x128xi32, #tpu.memory_space<vmem>>, %arg7: memref<128x16xf32, #tpu.memory_space<vmem>>, %arg8: memref<10240x16xf32, #tpu.memory_space<vmem_shared>>, %arg9: memref<!tpu.dma_semaphore, #tpu.memory_space<semaphore_mem>>) attributes {dimension_semantics = [#tpu.dimension_semantics<core_parallel>, #tpu.dimension_semantics<subcore_parallel>], iteration_bounds = array<i64: 2, 16>, scalar_prefetch = 0 : i64, scratch_operands = 4 : i64, tpu.core_type = #tpu.core_type<sc_vector_subcore>, window_params = [{transform_indices = #map}, {transform_indices = #map1}, {transform_indices = #map1}, {transform_indices = #map}]} {
    %mul3A = arith.constant 2 : i32
    %mul3A_0 = arith.muli %arg1, %mul3A : i32
    %add3A = arith.addi %mul3A_0, %arg0 : i32
    %mul3A_1 = arith.constant 640 : i32
    %mul3A_2 = arith.muli %arg1, %mul3A_1 : i32
    %mul3A_3 = arith.constant 640 : i32
    %mul3A_4 = arith.muli %arg1, %mul3A_3 : i32
    "tpu.region"() ({
      %run_scoped3A = tpu.sem_alloc : memref<!tpu.dma_semaphore, #tpu.memory_space<semaphore_mem>>
      %dma_start3A = arith.constant 0 : i32
      %dma_start3A_15 = tpu.memref_slice %arg8[%mul3A_4, %dma_start3A] : memref<10240x16xf32, #tpu.memory_space<vmem_shared>> -> memref<640x16xf32, #tpu.memory_space<vmem_shared>>
      %dma_start3A_16 = arith.constant 0 : i32
      %dma_start3A_17 = tpu.memref_slice %arg4[%mul3A_2, %dma_start3A_16] : memref<10240x16xf32, #tpu.memory_space<hbm>> -> memref<640x16xf32, #tpu.memory_space<hbm>>
      tpu.enqueue_dma source(%dma_start3A_17 : memref<640x16xf32, #tpu.memory_space<hbm>>) target(%dma_start3A_15 : memref<640x16xf32, #tpu.memory_space<vmem_shared>>) target_semaphore(%run_scoped3A : memref<!tpu.dma_semaphore, #tpu.memory_space<semaphore_mem>>)
      %dma_wait3A = arith.constant 0 : i32
      %dma_wait3A_18 = tpu.memref_slice %arg8[%mul3A_4, %dma_wait3A] : memref<10240x16xf32, #tpu.memory_space<vmem_shared>> -> memref<640x16xf32, #tpu.memory_space<vmem_shared>>
      %dma_wait3A_19 = arith.constant 0 : i32
      %dma_wait3A_20 = tpu.memref_slice %arg4[%mul3A_2, %dma_wait3A_19] : memref<10240x16xf32, #tpu.memory_space<hbm>> -> memref<640x16xf32, #tpu.memory_space<hbm>>
      tpu.wait_dma2 semaphore(%run_scoped3A : memref<!tpu.dma_semaphore, #tpu.memory_space<semaphore_mem>>) src(%dma_wait3A_20 : memref<640x16xf32, #tpu.memory_space<hbm>>) dst(%dma_wait3A_18 : memref<640x16xf32, #tpu.memory_space<vmem_shared>>)
      tpu.yield
    }) : () -> ()
    "tpu.region"() ({
      %run_scoped3A = tpu.sem_alloc : memref<!tpu.dma_semaphore, #tpu.memory_space<semaphore_mem>>
      tpu.enqueue_dma source(%arg3 : memref<128x16xf32, #tpu.memory_space<hbm>>) target(%arg7 : memref<128x16xf32, #tpu.memory_space<vmem>>) target_semaphore(%run_scoped3A : memref<!tpu.dma_semaphore, #tpu.memory_space<semaphore_mem>>)
      tpu.wait_dma2 semaphore(%run_scoped3A : memref<!tpu.dma_semaphore, #tpu.memory_space<semaphore_mem>>) src(%arg3 : memref<128x16xf32, #tpu.memory_space<hbm>>) dst(%arg7 : memref<128x16xf32, #tpu.memory_space<vmem>>)
      tpu.yield
    }) : () -> ()
    "tpu.region"() ({
      %run_scoped3A = tpu.sem_alloc : memref<!tpu.dma_semaphore, #tpu.memory_space<semaphore_mem>>
      %dma_start3A = arith.constant 0 : i32
      %dma_start3A_15 = arith.constant 0 : i32
      %dma_start3A_16 = tpu.memref_slice %arg2[%add3A, %dma_start3A, %dma_start3A_15] : memref<32x40x128xi32, #tpu.memory_space<hbm>> -> memref<1x40x128xi32, #tpu.memory_space<hbm>>
      %dma_start3A_17 = tpu.memref_squeeze %dma_start3A_16 : memref<1x40x128xi32, #tpu.memory_space<hbm>> -> memref<40x128xi32, #tpu.memory_space<hbm>>
      %dma_start3A_18 = arith.constant 0 : i32
      %dma_start3A_19 = arith.constant 0 : i32
      %dma_start3A_20 = tpu.memref_slice %arg2[%add3A, %dma_start3A_18, %dma_start3A_19] : memref<32x40x128xi32, #tpu.memory_space<hbm>> -> memref<1x40x128xi32, #tpu.memory_space<hbm>>
      %dma_start3A_21 = tpu.memref_squeeze %dma_start3A_20 : memref<1x40x128xi32, #tpu.memory_space<hbm>> -> memref<40x128xi32, #tpu.memory_space<hbm>>
      tpu.enqueue_dma source(%dma_start3A_21 : memref<40x128xi32, #tpu.memory_space<hbm>>) target(%arg6 : memref<40x128xi32, #tpu.memory_space<vmem>>) target_semaphore(%run_scoped3A : memref<!tpu.dma_semaphore, #tpu.memory_space<semaphore_mem>>)
      %dma_wait3A = arith.constant 0 : i32
      %dma_wait3A_22 = arith.constant 0 : i32
      %dma_wait3A_23 = tpu.memref_slice %arg2[%add3A, %dma_wait3A, %dma_wait3A_22] : memref<32x40x128xi32, #tpu.memory_space<hbm>> -> memref<1x40x128xi32, #tpu.memory_space<hbm>>
      %dma_wait3A_24 = tpu.memref_squeeze %dma_wait3A_23 : memref<1x40x128xi32, #tpu.memory_space<hbm>> -> memref<40x128xi32, #tpu.memory_space<hbm>>
      %dma_wait3A_25 = arith.constant 0 : i32
      %dma_wait3A_26 = arith.constant 0 : i32
      %dma_wait3A_27 = tpu.memref_slice %arg2[%add3A, %dma_wait3A_25, %dma_wait3A_26] : memref<32x40x128xi32, #tpu.memory_space<hbm>> -> memref<1x40x128xi32, #tpu.memory_space<hbm>>
      %dma_wait3A_28 = tpu.memref_squeeze %dma_wait3A_27 : memref<1x40x128xi32, #tpu.memory_space<hbm>> -> memref<40x128xi32, #tpu.memory_space<hbm>>
      tpu.wait_dma2 semaphore(%run_scoped3A : memref<!tpu.dma_semaphore, #tpu.memory_space<semaphore_mem>>) src(%dma_wait3A_28 : memref<40x128xi32, #tpu.memory_space<hbm>>) dst(%arg6 : memref<40x128xi32, #tpu.memory_space<vmem>>)
      tpu.yield
    }) : () -> ()
    %barrier3A = arith.constant 0 : index
    tpu.barrier barrier_id(%barrier3A)
    %scan3A = arith.constant 0 : i32
    %scan3A_5 = arith.constant 0 : i32
    %scan3A_6 = arith.constant 40 : i32
    %scan3A_7 = arith.addi %scan3A_5, %scan3A_6 : i32
    %scan3A_8 = arith.constant 1 : i32
    scf.for %scan3A_15 = %scan3A_5 to %scan3A_7 step %scan3A_8  : i32 {
      "tpu.region"() ({
        %run_scoped3A = tpu.sem_alloc : memref<!tpu.dma_semaphore, #tpu.memory_space<semaphore_mem>>
        %dma_start3A = arith.constant 0 : i32
        %dma_start3A_16 = tpu.memref_slice %arg6[%scan3A_15, %dma_start3A] : memref<40x128xi32, #tpu.memory_space<vmem>> -> memref<1x128xi32, #tpu.memory_space<vmem>>
        %dma_start3A_17 = tpu.memref_squeeze %dma_start3A_16 : memref<1x128xi32, #tpu.memory_space<vmem>> -> memref<128xi32, #tpu.memory_space<vmem>>
        %dma_start3A_18 = arith.constant 0 : i32
        %dma_start3A_19 = arith.constant 0 : i32
        %dma_start3A_20 = tpu.memref_slice %arg8[%dma_start3A_18, %dma_start3A_19] : memref<10240x16xf32, #tpu.memory_space<vmem_shared>> -> memref<10240x16xf32, #tpu.memory_space<vmem_shared>>
        tpu.enqueue_indirect_dma source(%arg7 : memref<128x16xf32, #tpu.memory_space<vmem>>) target(%dma_start3A_20 : memref<10240x16xf32, #tpu.memory_space<vmem_shared>>) offsets(%dma_start3A_17 : memref<128xi32, #tpu.memory_space<vmem>>) semaphore(%run_scoped3A : memref<!tpu.dma_semaphore, #tpu.memory_space<semaphore_mem>>) {add = true}
        %dma_wait3A = arith.constant 0 : i32
        %dma_wait3A_21 = tpu.memref_slice %arg6[%scan3A_15, %dma_wait3A] : memref<40x128xi32, #tpu.memory_space<vmem>> -> memref<1x128xi32, #tpu.memory_space<vmem>>
        %dma_wait3A_22 = tpu.memref_squeeze %dma_wait3A_21 : memref<1x128xi32, #tpu.memory_space<vmem>> -> memref<128xi32, #tpu.memory_space<vmem>>
        %dma_wait3A_23 = arith.constant 0 : i32
        %dma_wait3A_24 = arith.constant 0 : i32
        %dma_wait3A_25 = tpu.memref_slice %arg8[%dma_wait3A_23, %dma_wait3A_24] : memref<10240x16xf32, #tpu.memory_space<vmem_shared>> -> memref<10240x16xf32, #tpu.memory_space<vmem_shared>>
        tpu.wait_indirect_dma semaphore(%run_scoped3A : memref<!tpu.dma_semaphore, #tpu.memory_space<semaphore_mem>>) src(%arg7 : memref<128x16xf32, #tpu.memory_space<vmem>>) dst(%dma_wait3A_25 : memref<10240x16xf32, #tpu.memory_space<vmem_shared>>)
        tpu.yield
      }) : () -> ()
    }
    %scan3A_9 = arith.constant 40 : i32
    %barrier3A_10 = arith.constant 0 : index
    tpu.barrier barrier_id(%barrier3A_10)
    %mul3A_11 = arith.constant 640 : i32
    %mul3A_12 = arith.muli %arg1, %mul3A_11 : i32
    %mul3A_13 = arith.constant 640 : i32
    %mul3A_14 = arith.muli %arg1, %mul3A_13 : i32
    "tpu.region"() ({
      %run_scoped3A = tpu.sem_alloc : memref<!tpu.dma_semaphore, #tpu.memory_space<semaphore_mem>>
      %dma_start3A = arith.constant 0 : i32
      %dma_start3A_15 = tpu.memref_slice %arg5[%arg0, %mul3A_14, %dma_start3A] : memref<2x10240x16xf32, #tpu.memory_space<hbm>> -> memref<1x640x16xf32, #tpu.memory_space<hbm>>
      %dma_start3A_16 = tpu.memref_squeeze %dma_start3A_15 : memref<1x640x16xf32, #tpu.memory_space<hbm>> -> memref<640x16xf32, #tpu.memory_space<hbm>>
      %dma_start3A_17 = arith.constant 0 : i32
      %dma_start3A_18 = tpu.memref_slice %arg8[%mul3A_12, %dma_start3A_17] : memref<10240x16xf32, #tpu.memory_space<vmem_shared>> -> memref<640x16xf32, #tpu.memory_space<vmem_shared>>
      tpu.enqueue_dma source(%dma_start3A_18 : memref<640x16xf32, #tpu.memory_space<vmem_shared>>) target(%dma_start3A_16 : memref<640x16xf32, #tpu.memory_space<hbm>>) target_semaphore(%run_scoped3A : memref<!tpu.dma_semaphore, #tpu.memory_space<semaphore_mem>>)
      %dma_wait3A = arith.constant 0 : i32
      %dma_wait3A_19 = tpu.memref_slice %arg5[%arg0, %mul3A_14, %dma_wait3A] : memref<2x10240x16xf32, #tpu.memory_space<hbm>> -> memref<1x640x16xf32, #tpu.memory_space<hbm>>
      %dma_wait3A_20 = tpu.memref_squeeze %dma_wait3A_19 : memref<1x640x16xf32, #tpu.memory_space<hbm>> -> memref<640x16xf32, #tpu.memory_space<hbm>>
      %dma_wait3A_21 = arith.constant 0 : i32
      %dma_wait3A_22 = tpu.memref_slice %arg8[%mul3A_12, %dma_wait3A_21] : memref<10240x16xf32, #tpu.memory_space<vmem_shared>> -> memref<640x16xf32, #tpu.memory_space<vmem_shared>>
      tpu.wait_dma2 semaphore(%run_scoped3A : memref<!tpu.dma_semaphore, #tpu.memory_space<semaphore_mem>>) src(%dma_wait3A_22 : memref<640x16xf32, #tpu.memory_space<vmem_shared>>) dst(%dma_wait3A_20 : memref<640x16xf32, #tpu.memory_space<hbm>>)
      tpu.yield
    }) : () -> ()
    return
  }
}

#map = affine_map<(d0, d1) -> (0, 0)>
#map1 = affine_map<(d0, d1) -> (0, 0, 0)>
module attributes {stable_mosaic.version = 14 : i64} {
  func.func @k(%arg0: i32, %arg1: i32, %arg2: memref<10240x128xf32, #tpu.memory_space<hbm>>, %arg3: memref<32x40x128xi32, #tpu.memory_space<hbm>>, %arg4: memref<32x40x128xi32, #tpu.memory_space<hbm>>, %arg5: memref<10240x128xf32, #tpu.memory_space<hbm>>, %arg6: memref<2x10240x128xf32, #tpu.memory_space<hbm>>, %arg7: memref<40x128xi32, #tpu.memory_space<vmem>>, %arg8: memref<40x128xi32, #tpu.memory_space<vmem>>, %arg9: memref<128x128xf32, #tpu.memory_space<vmem>>, %arg10: memref<128x128xf32, #tpu.memory_space<vmem>>, %arg11: memref<10240x128xf32, #tpu.memory_space<vmem_shared>>, %arg12: memref<!tpu.dma_semaphore, #tpu.memory_space<semaphore_mem>>, %arg13: memref<!tpu.dma_semaphore, #tpu.memory_space<semaphore_mem>>) attributes {dimension_semantics = [#tpu.dimension_semantics<core_parallel>, #tpu.dimension_semantics<subcore_parallel>], iteration_bounds = array<i64: 2, 16>, scalar_prefetch = 0 : i64, scratch_operands = 7 : i64, tpu.core_type = #tpu.core_type<sc_vector_subcore>, window_params = [{transform_indices = #map}, {transform_indices = #map1}, {transform_indices = #map1}, {transform_indices = #map}, {transform_indices = #map1}]} {
    %mul3A = arith.constant 2 : i32
    %mul3A_0 = arith.muli %arg1, %mul3A : i32
    %add3A = arith.addi %mul3A_0, %arg0 : i32
    %mul3A_1 = arith.constant 640 : i32
    %mul3A_2 = arith.muli %arg1, %mul3A_1 : i32
    %mul3A_3 = arith.constant 640 : i32
    %mul3A_4 = arith.muli %arg1, %mul3A_3 : i32
    "tpu.region"() ({
      %run_scoped3A = tpu.sem_alloc : memref<!tpu.dma_semaphore, #tpu.memory_space<semaphore_mem>>
      %dma_start3A_21 = arith.constant 0 : i32
      %dma_start3A_22 = tpu.memref_slice %arg11[%mul3A_4, %dma_start3A_21] : memref<10240x128xf32, #tpu.memory_space<vmem_shared>> -> memref<640x128xf32, #tpu.memory_space<vmem_shared>>
      %dma_start3A_23 = arith.constant 0 : i32
      %dma_start3A_24 = tpu.memref_slice %arg5[%mul3A_2, %dma_start3A_23] : memref<10240x128xf32, #tpu.memory_space<hbm>> -> memref<640x128xf32, #tpu.memory_space<hbm>>
      tpu.enqueue_dma source(%dma_start3A_24 : memref<640x128xf32, #tpu.memory_space<hbm>>) target(%dma_start3A_22 : memref<640x128xf32, #tpu.memory_space<vmem_shared>>) target_semaphore(%run_scoped3A : memref<!tpu.dma_semaphore, #tpu.memory_space<semaphore_mem>>)
      %dma_wait3A = arith.constant 0 : i32
      %dma_wait3A_25 = tpu.memref_slice %arg11[%mul3A_4, %dma_wait3A] : memref<10240x128xf32, #tpu.memory_space<vmem_shared>> -> memref<640x128xf32, #tpu.memory_space<vmem_shared>>
      %dma_wait3A_26 = arith.constant 0 : i32
      %dma_wait3A_27 = tpu.memref_slice %arg5[%mul3A_2, %dma_wait3A_26] : memref<10240x128xf32, #tpu.memory_space<hbm>> -> memref<640x128xf32, #tpu.memory_space<hbm>>
      tpu.wait_dma2 semaphore(%run_scoped3A : memref<!tpu.dma_semaphore, #tpu.memory_space<semaphore_mem>>) src(%dma_wait3A_27 : memref<640x128xf32, #tpu.memory_space<hbm>>) dst(%dma_wait3A_25 : memref<640x128xf32, #tpu.memory_space<vmem_shared>>)
      tpu.yield
    }) : () -> ()
    "tpu.region"() ({
      %run_scoped3A = tpu.sem_alloc : memref<!tpu.dma_semaphore, #tpu.memory_space<semaphore_mem>>
      %dma_start3A_21 = arith.constant 0 : i32
      %dma_start3A_22 = arith.constant 0 : i32
      %dma_start3A_23 = tpu.memref_slice %arg3[%add3A, %dma_start3A_21, %dma_start3A_22] : memref<32x40x128xi32, #tpu.memory_space<hbm>> -> memref<1x40x128xi32, #tpu.memory_space<hbm>>
      %dma_start3A_24 = tpu.memref_squeeze %dma_start3A_23 : memref<1x40x128xi32, #tpu.memory_space<hbm>> -> memref<40x128xi32, #tpu.memory_space<hbm>>
      %dma_start3A_25 = arith.constant 0 : i32
      %dma_start3A_26 = arith.constant 0 : i32
      %dma_start3A_27 = tpu.memref_slice %arg3[%add3A, %dma_start3A_25, %dma_start3A_26] : memref<32x40x128xi32, #tpu.memory_space<hbm>> -> memref<1x40x128xi32, #tpu.memory_space<hbm>>
      %dma_start3A_28 = tpu.memref_squeeze %dma_start3A_27 : memref<1x40x128xi32, #tpu.memory_space<hbm>> -> memref<40x128xi32, #tpu.memory_space<hbm>>
      tpu.enqueue_dma source(%dma_start3A_28 : memref<40x128xi32, #tpu.memory_space<hbm>>) target(%arg7 : memref<40x128xi32, #tpu.memory_space<vmem>>) target_semaphore(%run_scoped3A : memref<!tpu.dma_semaphore, #tpu.memory_space<semaphore_mem>>)
      %dma_wait3A = arith.constant 0 : i32
      %dma_wait3A_29 = arith.constant 0 : i32
      %dma_wait3A_30 = tpu.memref_slice %arg3[%add3A, %dma_wait3A, %dma_wait3A_29] : memref<32x40x128xi32, #tpu.memory_space<hbm>> -> memref<1x40x128xi32, #tpu.memory_space<hbm>>
      %dma_wait3A_31 = tpu.memref_squeeze %dma_wait3A_30 : memref<1x40x128xi32, #tpu.memory_space<hbm>> -> memref<40x128xi32, #tpu.memory_space<hbm>>
      %dma_wait3A_32 = arith.constant 0 : i32
      %dma_wait3A_33 = arith.constant 0 : i32
      %dma_wait3A_34 = tpu.memref_slice %arg3[%add3A, %dma_wait3A_32, %dma_wait3A_33] : memref<32x40x128xi32, #tpu.memory_space<hbm>> -> memref<1x40x128xi32, #tpu.memory_space<hbm>>
      %dma_wait3A_35 = tpu.memref_squeeze %dma_wait3A_34 : memref<1x40x128xi32, #tpu.memory_space<hbm>> -> memref<40x128xi32, #tpu.memory_space<hbm>>
      tpu.wait_dma2 semaphore(%run_scoped3A : memref<!tpu.dma_semaphore, #tpu.memory_space<semaphore_mem>>) src(%dma_wait3A_35 : memref<40x128xi32, #tpu.memory_space<hbm>>) dst(%arg7 : memref<40x128xi32, #tpu.memory_space<vmem>>)
      tpu.yield
    }) : () -> ()
    "tpu.region"() ({
      %run_scoped3A = tpu.sem_alloc : memref<!tpu.dma_semaphore, #tpu.memory_space<semaphore_mem>>
      %dma_start3A_21 = arith.constant 0 : i32
      %dma_start3A_22 = arith.constant 0 : i32
      %dma_start3A_23 = tpu.memref_slice %arg4[%add3A, %dma_start3A_21, %dma_start3A_22] : memref<32x40x128xi32, #tpu.memory_space<hbm>> -> memref<1x40x128xi32, #tpu.memory_space<hbm>>
      %dma_start3A_24 = tpu.memref_squeeze %dma_start3A_23 : memref<1x40x128xi32, #tpu.memory_space<hbm>> -> memref<40x128xi32, #tpu.memory_space<hbm>>
      %dma_start3A_25 = arith.constant 0 : i32
      %dma_start3A_26 = arith.constant 0 : i32
      %dma_start3A_27 = tpu.memref_slice %arg4[%add3A, %dma_start3A_25, %dma_start3A_26] : memref<32x40x128xi32, #tpu.memory_space<hbm>> -> memref<1x40x128xi32, #tpu.memory_space<hbm>>
      %dma_start3A_28 = tpu.memref_squeeze %dma_start3A_27 : memref<1x40x128xi32, #tpu.memory_space<hbm>> -> memref<40x128xi32, #tpu.memory_space<hbm>>
      tpu.enqueue_dma source(%dma_start3A_28 : memref<40x128xi32, #tpu.memory_space<hbm>>) target(%arg8 : memref<40x128xi32, #tpu.memory_space<vmem>>) target_semaphore(%run_scoped3A : memref<!tpu.dma_semaphore, #tpu.memory_space<semaphore_mem>>)
      %dma_wait3A = arith.constant 0 : i32
      %dma_wait3A_29 = arith.constant 0 : i32
      %dma_wait3A_30 = tpu.memref_slice %arg4[%add3A, %dma_wait3A, %dma_wait3A_29] : memref<32x40x128xi32, #tpu.memory_space<hbm>> -> memref<1x40x128xi32, #tpu.memory_space<hbm>>
      %dma_wait3A_31 = tpu.memref_squeeze %dma_wait3A_30 : memref<1x40x128xi32, #tpu.memory_space<hbm>> -> memref<40x128xi32, #tpu.memory_space<hbm>>
      %dma_wait3A_32 = arith.constant 0 : i32
      %dma_wait3A_33 = arith.constant 0 : i32
      %dma_wait3A_34 = tpu.memref_slice %arg4[%add3A, %dma_wait3A_32, %dma_wait3A_33] : memref<32x40x128xi32, #tpu.memory_space<hbm>> -> memref<1x40x128xi32, #tpu.memory_space<hbm>>
      %dma_wait3A_35 = tpu.memref_squeeze %dma_wait3A_34 : memref<1x40x128xi32, #tpu.memory_space<hbm>> -> memref<40x128xi32, #tpu.memory_space<hbm>>
      tpu.wait_dma2 semaphore(%run_scoped3A : memref<!tpu.dma_semaphore, #tpu.memory_space<semaphore_mem>>) src(%dma_wait3A_35 : memref<40x128xi32, #tpu.memory_space<hbm>>) dst(%arg8 : memref<40x128xi32, #tpu.memory_space<vmem>>)
      tpu.yield
    }) : () -> ()
    %barrier3A = arith.constant 0 : index
    tpu.barrier barrier_id(%barrier3A)
    %dma_start3A = arith.constant 0 : i32
    %dma_start3A_5 = arith.constant 0 : i32
    %dma_start3A_6 = tpu.memref_slice %arg7[%dma_start3A, %dma_start3A_5] : memref<40x128xi32, #tpu.memory_space<vmem>> -> memref<1x128xi32, #tpu.memory_space<vmem>>
    %dma_start3A_7 = tpu.memref_squeeze %dma_start3A_6 : memref<1x128xi32, #tpu.memory_space<vmem>> -> memref<128xi32, #tpu.memory_space<vmem>>
    %dma_start3A_8 = arith.constant 0 : i32
    %dma_start3A_9 = arith.constant 0 : i32
    %dma_start3A_10 = tpu.memref_slice %arg2[%dma_start3A_8, %dma_start3A_9] : memref<10240x128xf32, #tpu.memory_space<hbm>> -> memref<10240x128xf32, #tpu.memory_space<hbm>>
    tpu.enqueue_indirect_dma source(%dma_start3A_10 : memref<10240x128xf32, #tpu.memory_space<hbm>>) target(%arg9 : memref<128x128xf32, #tpu.memory_space<vmem>>) offsets(%dma_start3A_7 : memref<128xi32, #tpu.memory_space<vmem>>) semaphore(%arg12 : memref<!tpu.dma_semaphore, #tpu.memory_space<semaphore_mem>>)
    %scan3A = arith.constant 0 : i32
    %scan3A_11 = arith.constant 0 : i32
    %scan3A_12 = arith.constant 20 : i32
    %scan3A_13 = arith.addi %scan3A_11, %scan3A_12 : i32
    %scan3A_14 = arith.constant 1 : i32
    scf.for %scan3A_21 = %scan3A_11 to %scan3A_13 step %scan3A_14  : i32 {
      %mul3A_22 = arith.constant 2 : i32
      %mul3A_23 = arith.muli %mul3A_22, %scan3A_21 : i32
      %mul3A_24 = arith.constant 2 : i32
      %mul3A_25 = arith.muli %mul3A_24, %scan3A_21 : i32
      %add3A_26 = arith.constant 1 : i32
      %add3A_27 = arith.addi %mul3A_25, %add3A_26 : i32
      %dma_wait3A = arith.constant 0 : i32
      %dma_wait3A_28 = tpu.memref_slice %arg7[%mul3A_23, %dma_wait3A] : memref<40x128xi32, #tpu.memory_space<vmem>> -> memref<1x128xi32, #tpu.memory_space<vmem>>
      %dma_wait3A_29 = tpu.memref_squeeze %dma_wait3A_28 : memref<1x128xi32, #tpu.memory_space<vmem>> -> memref<128xi32, #tpu.memory_space<vmem>>
      %dma_wait3A_30 = arith.constant 0 : i32
      %dma_wait3A_31 = arith.constant 0 : i32
      %dma_wait3A_32 = tpu.memref_slice %arg2[%dma_wait3A_30, %dma_wait3A_31] : memref<10240x128xf32, #tpu.memory_space<hbm>> -> memref<10240x128xf32, #tpu.memory_space<hbm>>
      tpu.wait_indirect_dma semaphore(%arg12 : memref<!tpu.dma_semaphore, #tpu.memory_space<semaphore_mem>>) src(%dma_wait3A_32 : memref<10240x128xf32, #tpu.memory_space<hbm>>) dst(%arg9 : memref<128x128xf32, #tpu.memory_space<vmem>>)
      %dma_start3A_33 = arith.constant 0 : i32
      %dma_start3A_34 = tpu.memref_slice %arg7[%add3A_27, %dma_start3A_33] : memref<40x128xi32, #tpu.memory_space<vmem>> -> memref<1x128xi32, #tpu.memory_space<vmem>>
      %dma_start3A_35 = tpu.memref_squeeze %dma_start3A_34 : memref<1x128xi32, #tpu.memory_space<vmem>> -> memref<128xi32, #tpu.memory_space<vmem>>
      %dma_start3A_36 = arith.constant 0 : i32
      %dma_start3A_37 = arith.constant 0 : i32
      %dma_start3A_38 = tpu.memref_slice %arg2[%dma_start3A_36, %dma_start3A_37] : memref<10240x128xf32, #tpu.memory_space<hbm>> -> memref<10240x128xf32, #tpu.memory_space<hbm>>
      tpu.enqueue_indirect_dma source(%dma_start3A_38 : memref<10240x128xf32, #tpu.memory_space<hbm>>) target(%arg10 : memref<128x128xf32, #tpu.memory_space<vmem>>) offsets(%dma_start3A_35 : memref<128xi32, #tpu.memory_space<vmem>>) semaphore(%arg13 : memref<!tpu.dma_semaphore, #tpu.memory_space<semaphore_mem>>)
      "tpu.region"() ({
        %run_scoped3A = tpu.sem_alloc : memref<!tpu.dma_semaphore, #tpu.memory_space<semaphore_mem>>
        %dma_start3A_47 = arith.constant 0 : i32
        %dma_start3A_48 = tpu.memref_slice %arg8[%mul3A_23, %dma_start3A_47] : memref<40x128xi32, #tpu.memory_space<vmem>> -> memref<1x128xi32, #tpu.memory_space<vmem>>
        %dma_start3A_49 = tpu.memref_squeeze %dma_start3A_48 : memref<1x128xi32, #tpu.memory_space<vmem>> -> memref<128xi32, #tpu.memory_space<vmem>>
        %dma_start3A_50 = arith.constant 0 : i32
        %dma_start3A_51 = arith.constant 0 : i32
        %dma_start3A_52 = tpu.memref_slice %arg11[%dma_start3A_50, %dma_start3A_51] : memref<10240x128xf32, #tpu.memory_space<vmem_shared>> -> memref<10240x128xf32, #tpu.memory_space<vmem_shared>>
        tpu.enqueue_indirect_dma source(%arg9 : memref<128x128xf32, #tpu.memory_space<vmem>>) target(%dma_start3A_52 : memref<10240x128xf32, #tpu.memory_space<vmem_shared>>) offsets(%dma_start3A_49 : memref<128xi32, #tpu.memory_space<vmem>>) semaphore(%run_scoped3A : memref<!tpu.dma_semaphore, #tpu.memory_space<semaphore_mem>>) {add = true}
        %dma_wait3A_53 = arith.constant 0 : i32
        %dma_wait3A_54 = tpu.memref_slice %arg8[%mul3A_23, %dma_wait3A_53] : memref<40x128xi32, #tpu.memory_space<vmem>> -> memref<1x128xi32, #tpu.memory_space<vmem>>
        %dma_wait3A_55 = tpu.memref_squeeze %dma_wait3A_54 : memref<1x128xi32, #tpu.memory_space<vmem>> -> memref<128xi32, #tpu.memory_space<vmem>>
        %dma_wait3A_56 = arith.constant 0 : i32
        %dma_wait3A_57 = arith.constant 0 : i32
        %dma_wait3A_58 = tpu.memref_slice %arg11[%dma_wait3A_56, %dma_wait3A_57] : memref<10240x128xf32, #tpu.memory_space<vmem_shared>> -> memref<10240x128xf32, #tpu.memory_space<vmem_shared>>
        tpu.wait_indirect_dma semaphore(%run_scoped3A : memref<!tpu.dma_semaphore, #tpu.memory_space<semaphore_mem>>) src(%arg9 : memref<128x128xf32, #tpu.memory_space<vmem>>) dst(%dma_wait3A_58 : memref<10240x128xf32, #tpu.memory_space<vmem_shared>>)
        tpu.yield
      }) : () -> ()
      %dma_wait3A_39 = arith.constant 0 : i32
      %dma_wait3A_40 = tpu.memref_slice %arg7[%add3A_27, %dma_wait3A_39] : memref<40x128xi32, #tpu.memory_space<vmem>> -> memref<1x128xi32, #tpu.memory_space<vmem>>
      %dma_wait3A_41 = tpu.memref_squeeze %dma_wait3A_40 : memref<1x128xi32, #tpu.memory_space<vmem>> -> memref<128xi32, #tpu.memory_space<vmem>>
      %dma_wait3A_42 = arith.constant 0 : i32
      %dma_wait3A_43 = arith.constant 0 : i32
      %dma_wait3A_44 = tpu.memref_slice %arg2[%dma_wait3A_42, %dma_wait3A_43] : memref<10240x128xf32, #tpu.memory_space<hbm>> -> memref<10240x128xf32, #tpu.memory_space<hbm>>
      tpu.wait_indirect_dma semaphore(%arg13 : memref<!tpu.dma_semaphore, #tpu.memory_space<semaphore_mem>>) src(%dma_wait3A_44 : memref<10240x128xf32, #tpu.memory_space<hbm>>) dst(%arg10 : memref<128x128xf32, #tpu.memory_space<vmem>>)
      %lt3A = arith.constant 19 : i32
      %lt3A_45 = arith.cmpi slt, %scan3A_21, %lt3A : i32
      %convert_element_type3A = arith.extui %lt3A_45 : i1 to i32
      %cond3A = arith.constant 0 : i32
      %cond3A_46 = arith.cmpi ne, %convert_element_type3A, %cond3A : i32
      scf.if %cond3A_46 {
        %add3A_47 = arith.constant 2 : i32
        %add3A_48 = arith.addi %mul3A_23, %add3A_47 : i32
        %dma_start3A_49 = arith.constant 0 : i32
        %dma_start3A_50 = tpu.memref_slice %arg7[%add3A_48, %dma_start3A_49] : memref<40x128xi32, #tpu.memory_space<vmem>> -> memref<1x128xi32, #tpu.memory_space<vmem>>
        %dma_start3A_51 = tpu.memref_squeeze %dma_start3A_50 : memref<1x128xi32, #tpu.memory_space<vmem>> -> memref<128xi32, #tpu.memory_space<vmem>>
        %dma_start3A_52 = arith.constant 0 : i32
        %dma_start3A_53 = arith.constant 0 : i32
        %dma_start3A_54 = tpu.memref_slice %arg2[%dma_start3A_52, %dma_start3A_53] : memref<10240x128xf32, #tpu.memory_space<hbm>> -> memref<10240x128xf32, #tpu.memory_space<hbm>>
        tpu.enqueue_indirect_dma source(%dma_start3A_54 : memref<10240x128xf32, #tpu.memory_space<hbm>>) target(%arg9 : memref<128x128xf32, #tpu.memory_space<vmem>>) offsets(%dma_start3A_51 : memref<128xi32, #tpu.memory_space<vmem>>) semaphore(%arg12 : memref<!tpu.dma_semaphore, #tpu.memory_space<semaphore_mem>>)
      } else {
      }
      "tpu.region"() ({
        %run_scoped3A = tpu.sem_alloc : memref<!tpu.dma_semaphore, #tpu.memory_space<semaphore_mem>>
        %dma_start3A_47 = arith.constant 0 : i32
        %dma_start3A_48 = tpu.memref_slice %arg8[%add3A_27, %dma_start3A_47] : memref<40x128xi32, #tpu.memory_space<vmem>> -> memref<1x128xi32, #tpu.memory_space<vmem>>
        %dma_start3A_49 = tpu.memref_squeeze %dma_start3A_48 : memref<1x128xi32, #tpu.memory_space<vmem>> -> memref<128xi32, #tpu.memory_space<vmem>>
        %dma_start3A_50 = arith.constant 0 : i32
        %dma_start3A_51 = arith.constant 0 : i32
        %dma_start3A_52 = tpu.memref_slice %arg11[%dma_start3A_50, %dma_start3A_51] : memref<10240x128xf32, #tpu.memory_space<vmem_shared>> -> memref<10240x128xf32, #tpu.memory_space<vmem_shared>>
        tpu.enqueue_indirect_dma source(%arg10 : memref<128x128xf32, #tpu.memory_space<vmem>>) target(%dma_start3A_52 : memref<10240x128xf32, #tpu.memory_space<vmem_shared>>) offsets(%dma_start3A_49 : memref<128xi32, #tpu.memory_space<vmem>>) semaphore(%run_scoped3A : memref<!tpu.dma_semaphore, #tpu.memory_space<semaphore_mem>>) {add = true}
        %dma_wait3A_53 = arith.constant 0 : i32
        %dma_wait3A_54 = tpu.memref_slice %arg8[%add3A_27, %dma_wait3A_53] : memref<40x128xi32, #tpu.memory_space<vmem>> -> memref<1x128xi32, #tpu.memory_space<vmem>>
        %dma_wait3A_55 = tpu.memref_squeeze %dma_wait3A_54 : memref<1x128xi32, #tpu.memory_space<vmem>> -> memref<128xi32, #tpu.memory_space<vmem>>
        %dma_wait3A_56 = arith.constant 0 : i32
        %dma_wait3A_57 = arith.constant 0 : i32
        %dma_wait3A_58 = tpu.memref_slice %arg11[%dma_wait3A_56, %dma_wait3A_57] : memref<10240x128xf32, #tpu.memory_space<vmem_shared>> -> memref<10240x128xf32, #tpu.memory_space<vmem_shared>>
        tpu.wait_indirect_dma semaphore(%run_scoped3A : memref<!tpu.dma_semaphore, #tpu.memory_space<semaphore_mem>>) src(%arg10 : memref<128x128xf32, #tpu.memory_space<vmem>>) dst(%dma_wait3A_58 : memref<10240x128xf32, #tpu.memory_space<vmem_shared>>)
        tpu.yield
      }) : () -> ()
    }
    %scan3A_15 = arith.constant 20 : i32
    %barrier3A_16 = arith.constant 0 : index
    tpu.barrier barrier_id(%barrier3A_16)
    %mul3A_17 = arith.constant 640 : i32
    %mul3A_18 = arith.muli %arg1, %mul3A_17 : i32
    %mul3A_19 = arith.constant 640 : i32
    %mul3A_20 = arith.muli %arg1, %mul3A_19 : i32
    "tpu.region"() ({
      %run_scoped3A = tpu.sem_alloc : memref<!tpu.dma_semaphore, #tpu.memory_space<semaphore_mem>>
      %dma_start3A_21 = arith.constant 0 : i32
      %dma_start3A_22 = tpu.memref_slice %arg6[%arg0, %mul3A_20, %dma_start3A_21] : memref<2x10240x128xf32, #tpu.memory_space<hbm>> -> memref<1x640x128xf32, #tpu.memory_space<hbm>>
      %dma_start3A_23 = tpu.memref_squeeze %dma_start3A_22 : memref<1x640x128xf32, #tpu.memory_space<hbm>> -> memref<640x128xf32, #tpu.memory_space<hbm>>
      %dma_start3A_24 = arith.constant 0 : i32
      %dma_start3A_25 = tpu.memref_slice %arg11[%mul3A_18, %dma_start3A_24] : memref<10240x128xf32, #tpu.memory_space<vmem_shared>> -> memref<640x128xf32, #tpu.memory_space<vmem_shared>>
      tpu.enqueue_dma source(%dma_start3A_25 : memref<640x128xf32, #tpu.memory_space<vmem_shared>>) target(%dma_start3A_23 : memref<640x128xf32, #tpu.memory_space<hbm>>) target_semaphore(%run_scoped3A : memref<!tpu.dma_semaphore, #tpu.memory_space<semaphore_mem>>)
      %dma_wait3A = arith.constant 0 : i32
      %dma_wait3A_26 = tpu.memref_slice %arg6[%arg0, %mul3A_20, %dma_wait3A] : memref<2x10240x128xf32, #tpu.memory_space<hbm>> -> memref<1x640x128xf32, #tpu.memory_space<hbm>>
      %dma_wait3A_27 = tpu.memref_squeeze %dma_wait3A_26 : memref<1x640x128xf32, #tpu.memory_space<hbm>> -> memref<640x128xf32, #tpu.memory_space<hbm>>
      %dma_wait3A_28 = arith.constant 0 : i32
      %dma_wait3A_29 = tpu.memref_slice %arg11[%mul3A_18, %dma_wait3A_28] : memref<10240x128xf32, #tpu.memory_space<vmem_shared>> -> memref<640x128xf32, #tpu.memory_space<vmem_shared>>
      tpu.wait_dma2 semaphore(%run_scoped3A : memref<!tpu.dma_semaphore, #tpu.memory_space<semaphore_mem>>) src(%dma_wait3A_29 : memref<640x128xf32, #tpu.memory_space<vmem_shared>>) dst(%dma_wait3A_27 : memref<640x128xf32, #tpu.memory_space<hbm>>)
      tpu.yield
    }) : () -> ()
    return
  }
}

#map = affine_map<(d0, d1) -> (0, 0)>
#map1 = affine_map<(d0, d1) -> (0, 0, 0)>
module attributes {stable_mosaic.version = 14 : i64} {
  func.func @k(%arg0: i32, %arg1: i32, %arg2: memref<10240x128xf32, #tpu.memory_space<hbm>>, %arg3: memref<32x40x128xi32, #tpu.memory_space<hbm>>, %arg4: memref<32x40x128xi32, #tpu.memory_space<hbm>>, %arg5: memref<10240x128xf32, #tpu.memory_space<hbm>>, %arg6: memref<2x10240x128xf32, #tpu.memory_space<hbm>>, %arg7: memref<40x128xi32, #tpu.memory_space<vmem>>, %arg8: memref<40x128xi32, #tpu.memory_space<vmem>>, %arg9: memref<128x128xf32, #tpu.memory_space<vmem>>, %arg10: memref<128x128xf32, #tpu.memory_space<vmem>>, %arg11: memref<10240x128xf32, #tpu.memory_space<vmem_shared>>, %arg12: memref<!tpu.dma_semaphore, #tpu.memory_space<semaphore_mem>>, %arg13: memref<!tpu.dma_semaphore, #tpu.memory_space<semaphore_mem>>) attributes {dimension_semantics = [#tpu.dimension_semantics<core_parallel>, #tpu.dimension_semantics<subcore_parallel>], iteration_bounds = array<i64: 2, 16>, scalar_prefetch = 0 : i64, scratch_operands = 7 : i64, tpu.core_type = #tpu.core_type<sc_vector_subcore>, window_params = [{transform_indices = #map}, {transform_indices = #map1}, {transform_indices = #map1}, {transform_indices = #map}, {transform_indices = #map1}]} {
    %mul3A = arith.constant 2 : i32
    %mul3A_0 = arith.muli %arg1, %mul3A : i32
    %add3A = arith.addi %mul3A_0, %arg0 : i32
    %mul3A_1 = arith.constant 640 : i32
    %mul3A_2 = arith.muli %arg1, %mul3A_1 : i32
    %mul3A_3 = arith.constant 640 : i32
    %mul3A_4 = arith.muli %arg1, %mul3A_3 : i32
    "tpu.region"() ({
      %run_scoped3A = tpu.sem_alloc : memref<!tpu.dma_semaphore, #tpu.memory_space<semaphore_mem>>
      %dma_start3A_21 = arith.constant 0 : i32
      %dma_start3A_22 = tpu.memref_slice %arg11[%mul3A_4, %dma_start3A_21] : memref<10240x128xf32, #tpu.memory_space<vmem_shared>> -> memref<640x128xf32, #tpu.memory_space<vmem_shared>>
      %dma_start3A_23 = arith.constant 0 : i32
      %dma_start3A_24 = tpu.memref_slice %arg5[%mul3A_2, %dma_start3A_23] : memref<10240x128xf32, #tpu.memory_space<hbm>> -> memref<640x128xf32, #tpu.memory_space<hbm>>
      tpu.enqueue_dma source(%dma_start3A_24 : memref<640x128xf32, #tpu.memory_space<hbm>>) target(%dma_start3A_22 : memref<640x128xf32, #tpu.memory_space<vmem_shared>>) target_semaphore(%run_scoped3A : memref<!tpu.dma_semaphore, #tpu.memory_space<semaphore_mem>>)
      %dma_wait3A = arith.constant 0 : i32
      %dma_wait3A_25 = tpu.memref_slice %arg11[%mul3A_4, %dma_wait3A] : memref<10240x128xf32, #tpu.memory_space<vmem_shared>> -> memref<640x128xf32, #tpu.memory_space<vmem_shared>>
      %dma_wait3A_26 = arith.constant 0 : i32
      %dma_wait3A_27 = tpu.memref_slice %arg5[%mul3A_2, %dma_wait3A_26] : memref<10240x128xf32, #tpu.memory_space<hbm>> -> memref<640x128xf32, #tpu.memory_space<hbm>>
      tpu.wait_dma2 semaphore(%run_scoped3A : memref<!tpu.dma_semaphore, #tpu.memory_space<semaphore_mem>>) src(%dma_wait3A_27 : memref<640x128xf32, #tpu.memory_space<hbm>>) dst(%dma_wait3A_25 : memref<640x128xf32, #tpu.memory_space<vmem_shared>>)
      tpu.yield
    }) : () -> ()
    "tpu.region"() ({
      %run_scoped3A = tpu.sem_alloc : memref<!tpu.dma_semaphore, #tpu.memory_space<semaphore_mem>>
      %dma_start3A_21 = arith.constant 0 : i32
      %dma_start3A_22 = arith.constant 0 : i32
      %dma_start3A_23 = tpu.memref_slice %arg3[%add3A, %dma_start3A_21, %dma_start3A_22] : memref<32x40x128xi32, #tpu.memory_space<hbm>> -> memref<1x40x128xi32, #tpu.memory_space<hbm>>
      %dma_start3A_24 = tpu.memref_squeeze %dma_start3A_23 : memref<1x40x128xi32, #tpu.memory_space<hbm>> -> memref<40x128xi32, #tpu.memory_space<hbm>>
      %dma_start3A_25 = arith.constant 0 : i32
      %dma_start3A_26 = arith.constant 0 : i32
      %dma_start3A_27 = tpu.memref_slice %arg3[%add3A, %dma_start3A_25, %dma_start3A_26] : memref<32x40x128xi32, #tpu.memory_space<hbm>> -> memref<1x40x128xi32, #tpu.memory_space<hbm>>
      %dma_start3A_28 = tpu.memref_squeeze %dma_start3A_27 : memref<1x40x128xi32, #tpu.memory_space<hbm>> -> memref<40x128xi32, #tpu.memory_space<hbm>>
      tpu.enqueue_dma source(%dma_start3A_28 : memref<40x128xi32, #tpu.memory_space<hbm>>) target(%arg7 : memref<40x128xi32, #tpu.memory_space<vmem>>) target_semaphore(%run_scoped3A : memref<!tpu.dma_semaphore, #tpu.memory_space<semaphore_mem>>)
      %dma_wait3A = arith.constant 0 : i32
      %dma_wait3A_29 = arith.constant 0 : i32
      %dma_wait3A_30 = tpu.memref_slice %arg3[%add3A, %dma_wait3A, %dma_wait3A_29] : memref<32x40x128xi32, #tpu.memory_space<hbm>> -> memref<1x40x128xi32, #tpu.memory_space<hbm>>
      %dma_wait3A_31 = tpu.memref_squeeze %dma_wait3A_30 : memref<1x40x128xi32, #tpu.memory_space<hbm>> -> memref<40x128xi32, #tpu.memory_space<hbm>>
      %dma_wait3A_32 = arith.constant 0 : i32
      %dma_wait3A_33 = arith.constant 0 : i32
      %dma_wait3A_34 = tpu.memref_slice %arg3[%add3A, %dma_wait3A_32, %dma_wait3A_33] : memref<32x40x128xi32, #tpu.memory_space<hbm>> -> memref<1x40x128xi32, #tpu.memory_space<hbm>>
      %dma_wait3A_35 = tpu.memref_squeeze %dma_wait3A_34 : memref<1x40x128xi32, #tpu.memory_space<hbm>> -> memref<40x128xi32, #tpu.memory_space<hbm>>
      tpu.wait_dma2 semaphore(%run_scoped3A : memref<!tpu.dma_semaphore, #tpu.memory_space<semaphore_mem>>) src(%dma_wait3A_35 : memref<40x128xi32, #tpu.memory_space<hbm>>) dst(%arg7 : memref<40x128xi32, #tpu.memory_space<vmem>>)
      tpu.yield
    }) : () -> ()
    "tpu.region"() ({
      %run_scoped3A = tpu.sem_alloc : memref<!tpu.dma_semaphore, #tpu.memory_space<semaphore_mem>>
      %dma_start3A_21 = arith.constant 0 : i32
      %dma_start3A_22 = arith.constant 0 : i32
      %dma_start3A_23 = tpu.memref_slice %arg4[%add3A, %dma_start3A_21, %dma_start3A_22] : memref<32x40x128xi32, #tpu.memory_space<hbm>> -> memref<1x40x128xi32, #tpu.memory_space<hbm>>
      %dma_start3A_24 = tpu.memref_squeeze %dma_start3A_23 : memref<1x40x128xi32, #tpu.memory_space<hbm>> -> memref<40x128xi32, #tpu.memory_space<hbm>>
      %dma_start3A_25 = arith.constant 0 : i32
      %dma_start3A_26 = arith.constant 0 : i32
      %dma_start3A_27 = tpu.memref_slice %arg4[%add3A, %dma_start3A_25, %dma_start3A_26] : memref<32x40x128xi32, #tpu.memory_space<hbm>> -> memref<1x40x128xi32, #tpu.memory_space<hbm>>
      %dma_start3A_28 = tpu.memref_squeeze %dma_start3A_27 : memref<1x40x128xi32, #tpu.memory_space<hbm>> -> memref<40x128xi32, #tpu.memory_space<hbm>>
      tpu.enqueue_dma source(%dma_start3A_28 : memref<40x128xi32, #tpu.memory_space<hbm>>) target(%arg8 : memref<40x128xi32, #tpu.memory_space<vmem>>) target_semaphore(%run_scoped3A : memref<!tpu.dma_semaphore, #tpu.memory_space<semaphore_mem>>)
      %dma_wait3A = arith.constant 0 : i32
      %dma_wait3A_29 = arith.constant 0 : i32
      %dma_wait3A_30 = tpu.memref_slice %arg4[%add3A, %dma_wait3A, %dma_wait3A_29] : memref<32x40x128xi32, #tpu.memory_space<hbm>> -> memref<1x40x128xi32, #tpu.memory_space<hbm>>
      %dma_wait3A_31 = tpu.memref_squeeze %dma_wait3A_30 : memref<1x40x128xi32, #tpu.memory_space<hbm>> -> memref<40x128xi32, #tpu.memory_space<hbm>>
      %dma_wait3A_32 = arith.constant 0 : i32
      %dma_wait3A_33 = arith.constant 0 : i32
      %dma_wait3A_34 = tpu.memref_slice %arg4[%add3A, %dma_wait3A_32, %dma_wait3A_33] : memref<32x40x128xi32, #tpu.memory_space<hbm>> -> memref<1x40x128xi32, #tpu.memory_space<hbm>>
      %dma_wait3A_35 = tpu.memref_squeeze %dma_wait3A_34 : memref<1x40x128xi32, #tpu.memory_space<hbm>> -> memref<40x128xi32, #tpu.memory_space<hbm>>
      tpu.wait_dma2 semaphore(%run_scoped3A : memref<!tpu.dma_semaphore, #tpu.memory_space<semaphore_mem>>) src(%dma_wait3A_35 : memref<40x128xi32, #tpu.memory_space<hbm>>) dst(%arg8 : memref<40x128xi32, #tpu.memory_space<vmem>>)
      tpu.yield
    }) : () -> ()
    %barrier3A = arith.constant 0 : index
    tpu.barrier barrier_id(%barrier3A)
    %dma_start3A = arith.constant 0 : i32
    %dma_start3A_5 = arith.constant 0 : i32
    %dma_start3A_6 = tpu.memref_slice %arg7[%dma_start3A, %dma_start3A_5] : memref<40x128xi32, #tpu.memory_space<vmem>> -> memref<1x128xi32, #tpu.memory_space<vmem>>
    %dma_start3A_7 = tpu.memref_squeeze %dma_start3A_6 : memref<1x128xi32, #tpu.memory_space<vmem>> -> memref<128xi32, #tpu.memory_space<vmem>>
    %dma_start3A_8 = arith.constant 0 : i32
    %dma_start3A_9 = arith.constant 0 : i32
    %dma_start3A_10 = tpu.memref_slice %arg2[%dma_start3A_8, %dma_start3A_9] : memref<10240x128xf32, #tpu.memory_space<hbm>> -> memref<10240x128xf32, #tpu.memory_space<hbm>>
    tpu.enqueue_indirect_dma source(%dma_start3A_10 : memref<10240x128xf32, #tpu.memory_space<hbm>>) target(%arg9 : memref<128x128xf32, #tpu.memory_space<vmem>>) offsets(%dma_start3A_7 : memref<128xi32, #tpu.memory_space<vmem>>) semaphore(%arg12 : memref<!tpu.dma_semaphore, #tpu.memory_space<semaphore_mem>>)
    %scan3A = arith.constant 0 : i32
    %scan3A_11 = arith.constant 0 : i32
    %scan3A_12 = arith.constant 20 : i32
    %scan3A_13 = arith.addi %scan3A_11, %scan3A_12 : i32
    %scan3A_14 = arith.constant 1 : i32
    scf.for %scan3A_21 = %scan3A_11 to %scan3A_13 step %scan3A_14  : i32 {
      %mul3A_22 = arith.constant 2 : i32
      %mul3A_23 = arith.muli %mul3A_22, %scan3A_21 : i32
      %mul3A_24 = arith.constant 2 : i32
      %mul3A_25 = arith.muli %mul3A_24, %scan3A_21 : i32
      %add3A_26 = arith.constant 1 : i32
      %add3A_27 = arith.addi %mul3A_25, %add3A_26 : i32
      %dma_wait3A = arith.constant 0 : i32
      %dma_wait3A_28 = tpu.memref_slice %arg7[%mul3A_23, %dma_wait3A] : memref<40x128xi32, #tpu.memory_space<vmem>> -> memref<1x128xi32, #tpu.memory_space<vmem>>
      %dma_wait3A_29 = tpu.memref_squeeze %dma_wait3A_28 : memref<1x128xi32, #tpu.memory_space<vmem>> -> memref<128xi32, #tpu.memory_space<vmem>>
      %dma_wait3A_30 = arith.constant 0 : i32
      %dma_wait3A_31 = arith.constant 0 : i32
      %dma_wait3A_32 = tpu.memref_slice %arg2[%dma_wait3A_30, %dma_wait3A_31] : memref<10240x128xf32, #tpu.memory_space<hbm>> -> memref<10240x128xf32, #tpu.memory_space<hbm>>
      tpu.wait_indirect_dma semaphore(%arg12 : memref<!tpu.dma_semaphore, #tpu.memory_space<semaphore_mem>>) src(%dma_wait3A_32 : memref<10240x128xf32, #tpu.memory_space<hbm>>) dst(%arg9 : memref<128x128xf32, #tpu.memory_space<vmem>>)
      %dma_start3A_33 = arith.constant 0 : i32
      %dma_start3A_34 = tpu.memref_slice %arg7[%add3A_27, %dma_start3A_33] : memref<40x128xi32, #tpu.memory_space<vmem>> -> memref<1x128xi32, #tpu.memory_space<vmem>>
      %dma_start3A_35 = tpu.memref_squeeze %dma_start3A_34 : memref<1x128xi32, #tpu.memory_space<vmem>> -> memref<128xi32, #tpu.memory_space<vmem>>
      %dma_start3A_36 = arith.constant 0 : i32
      %dma_start3A_37 = arith.constant 0 : i32
      %dma_start3A_38 = tpu.memref_slice %arg2[%dma_start3A_36, %dma_start3A_37] : memref<10240x128xf32, #tpu.memory_space<hbm>> -> memref<10240x128xf32, #tpu.memory_space<hbm>>
      tpu.enqueue_indirect_dma source(%dma_start3A_38 : memref<10240x128xf32, #tpu.memory_space<hbm>>) target(%arg10 : memref<128x128xf32, #tpu.memory_space<vmem>>) offsets(%dma_start3A_35 : memref<128xi32, #tpu.memory_space<vmem>>) semaphore(%arg13 : memref<!tpu.dma_semaphore, #tpu.memory_space<semaphore_mem>>)
      "tpu.region"() ({
        %run_scoped3A = tpu.sem_alloc : memref<!tpu.dma_semaphore, #tpu.memory_space<semaphore_mem>>
        %dma_start3A_47 = arith.constant 0 : i32
        %dma_start3A_48 = tpu.memref_slice %arg8[%mul3A_23, %dma_start3A_47] : memref<40x128xi32, #tpu.memory_space<vmem>> -> memref<1x128xi32, #tpu.memory_space<vmem>>
        %dma_start3A_49 = tpu.memref_squeeze %dma_start3A_48 : memref<1x128xi32, #tpu.memory_space<vmem>> -> memref<128xi32, #tpu.memory_space<vmem>>
        %dma_start3A_50 = arith.constant 0 : i32
        %dma_start3A_51 = arith.constant 0 : i32
        %dma_start3A_52 = tpu.memref_slice %arg11[%dma_start3A_50, %dma_start3A_51] : memref<10240x128xf32, #tpu.memory_space<vmem_shared>> -> memref<10240x128xf32, #tpu.memory_space<vmem_shared>>
        tpu.enqueue_indirect_dma source(%arg9 : memref<128x128xf32, #tpu.memory_space<vmem>>) target(%dma_start3A_52 : memref<10240x128xf32, #tpu.memory_space<vmem_shared>>) offsets(%dma_start3A_49 : memref<128xi32, #tpu.memory_space<vmem>>) semaphore(%run_scoped3A : memref<!tpu.dma_semaphore, #tpu.memory_space<semaphore_mem>>) {add = true}
        %dma_wait3A_53 = arith.constant 0 : i32
        %dma_wait3A_54 = tpu.memref_slice %arg8[%mul3A_23, %dma_wait3A_53] : memref<40x128xi32, #tpu.memory_space<vmem>> -> memref<1x128xi32, #tpu.memory_space<vmem>>
        %dma_wait3A_55 = tpu.memref_squeeze %dma_wait3A_54 : memref<1x128xi32, #tpu.memory_space<vmem>> -> memref<128xi32, #tpu.memory_space<vmem>>
        %dma_wait3A_56 = arith.constant 0 : i32
        %dma_wait3A_57 = arith.constant 0 : i32
        %dma_wait3A_58 = tpu.memref_slice %arg11[%dma_wait3A_56, %dma_wait3A_57] : memref<10240x128xf32, #tpu.memory_space<vmem_shared>> -> memref<10240x128xf32, #tpu.memory_space<vmem_shared>>
        tpu.wait_indirect_dma semaphore(%run_scoped3A : memref<!tpu.dma_semaphore, #tpu.memory_space<semaphore_mem>>) src(%arg9 : memref<128x128xf32, #tpu.memory_space<vmem>>) dst(%dma_wait3A_58 : memref<10240x128xf32, #tpu.memory_space<vmem_shared>>)
        tpu.yield
      }) : () -> ()
      %dma_wait3A_39 = arith.constant 0 : i32
      %dma_wait3A_40 = tpu.memref_slice %arg7[%add3A_27, %dma_wait3A_39] : memref<40x128xi32, #tpu.memory_space<vmem>> -> memref<1x128xi32, #tpu.memory_space<vmem>>
      %dma_wait3A_41 = tpu.memref_squeeze %dma_wait3A_40 : memref<1x128xi32, #tpu.memory_space<vmem>> -> memref<128xi32, #tpu.memory_space<vmem>>
      %dma_wait3A_42 = arith.constant 0 : i32
      %dma_wait3A_43 = arith.constant 0 : i32
      %dma_wait3A_44 = tpu.memref_slice %arg2[%dma_wait3A_42, %dma_wait3A_43] : memref<10240x128xf32, #tpu.memory_space<hbm>> -> memref<10240x128xf32, #tpu.memory_space<hbm>>
      tpu.wait_indirect_dma semaphore(%arg13 : memref<!tpu.dma_semaphore, #tpu.memory_space<semaphore_mem>>) src(%dma_wait3A_44 : memref<10240x128xf32, #tpu.memory_space<hbm>>) dst(%arg10 : memref<128x128xf32, #tpu.memory_space<vmem>>)
      %lt3A = arith.constant 19 : i32
      %lt3A_45 = arith.cmpi slt, %scan3A_21, %lt3A : i32
      %convert_element_type3A = arith.extui %lt3A_45 : i1 to i32
      %cond3A = arith.constant 0 : i32
      %cond3A_46 = arith.cmpi ne, %convert_element_type3A, %cond3A : i32
      scf.if %cond3A_46 {
        %add3A_47 = arith.constant 2 : i32
        %add3A_48 = arith.addi %mul3A_23, %add3A_47 : i32
        %dma_start3A_49 = arith.constant 0 : i32
        %dma_start3A_50 = tpu.memref_slice %arg7[%add3A_48, %dma_start3A_49] : memref<40x128xi32, #tpu.memory_space<vmem>> -> memref<1x128xi32, #tpu.memory_space<vmem>>
        %dma_start3A_51 = tpu.memref_squeeze %dma_start3A_50 : memref<1x128xi32, #tpu.memory_space<vmem>> -> memref<128xi32, #tpu.memory_space<vmem>>
        %dma_start3A_52 = arith.constant 0 : i32
        %dma_start3A_53 = arith.constant 0 : i32
        %dma_start3A_54 = tpu.memref_slice %arg2[%dma_start3A_52, %dma_start3A_53] : memref<10240x128xf32, #tpu.memory_space<hbm>> -> memref<10240x128xf32, #tpu.memory_space<hbm>>
        tpu.enqueue_indirect_dma source(%dma_start3A_54 : memref<10240x128xf32, #tpu.memory_space<hbm>>) target(%arg9 : memref<128x128xf32, #tpu.memory_space<vmem>>) offsets(%dma_start3A_51 : memref<128xi32, #tpu.memory_space<vmem>>) semaphore(%arg12 : memref<!tpu.dma_semaphore, #tpu.memory_space<semaphore_mem>>)
      } else {
      }
      "tpu.region"() ({
        %run_scoped3A = tpu.sem_alloc : memref<!tpu.dma_semaphore, #tpu.memory_space<semaphore_mem>>
        %dma_start3A_47 = arith.constant 0 : i32
        %dma_start3A_48 = tpu.memref_slice %arg8[%add3A_27, %dma_start3A_47] : memref<40x128xi32, #tpu.memory_space<vmem>> -> memref<1x128xi32, #tpu.memory_space<vmem>>
        %dma_start3A_49 = tpu.memref_squeeze %dma_start3A_48 : memref<1x128xi32, #tpu.memory_space<vmem>> -> memref<128xi32, #tpu.memory_space<vmem>>
        %dma_start3A_50 = arith.constant 0 : i32
        %dma_start3A_51 = arith.constant 0 : i32
        %dma_start3A_52 = tpu.memref_slice %arg11[%dma_start3A_50, %dma_start3A_51] : memref<10240x128xf32, #tpu.memory_space<vmem_shared>> -> memref<10240x128xf32, #tpu.memory_space<vmem_shared>>
        tpu.enqueue_indirect_dma source(%arg10 : memref<128x128xf32, #tpu.memory_space<vmem>>) target(%dma_start3A_52 : memref<10240x128xf32, #tpu.memory_space<vmem_shared>>) offsets(%dma_start3A_49 : memref<128xi32, #tpu.memory_space<vmem>>) semaphore(%run_scoped3A : memref<!tpu.dma_semaphore, #tpu.memory_space<semaphore_mem>>) {add = true}
        %dma_wait3A_53 = arith.constant 0 : i32
        %dma_wait3A_54 = tpu.memref_slice %arg8[%add3A_27, %dma_wait3A_53] : memref<40x128xi32, #tpu.memory_space<vmem>> -> memref<1x128xi32, #tpu.memory_space<vmem>>
        %dma_wait3A_55 = tpu.memref_squeeze %dma_wait3A_54 : memref<1x128xi32, #tpu.memory_space<vmem>> -> memref<128xi32, #tpu.memory_space<vmem>>
        %dma_wait3A_56 = arith.constant 0 : i32
        %dma_wait3A_57 = arith.constant 0 : i32
        %dma_wait3A_58 = tpu.memref_slice %arg11[%dma_wait3A_56, %dma_wait3A_57] : memref<10240x128xf32, #tpu.memory_space<vmem_shared>> -> memref<10240x128xf32, #tpu.memory_space<vmem_shared>>
        tpu.wait_indirect_dma semaphore(%run_scoped3A : memref<!tpu.dma_semaphore, #tpu.memory_space<semaphore_mem>>) src(%arg10 : memref<128x128xf32, #tpu.memory_space<vmem>>) dst(%dma_wait3A_58 : memref<10240x128xf32, #tpu.memory_space<vmem_shared>>)
        tpu.yield
      }) : () -> ()
    }
    %scan3A_15 = arith.constant 20 : i32
    %barrier3A_16 = arith.constant 0 : index
    tpu.barrier barrier_id(%barrier3A_16)
    %mul3A_17 = arith.constant 640 : i32
    %mul3A_18 = arith.muli %arg1, %mul3A_17 : i32
    %mul3A_19 = arith.constant 640 : i32
    %mul3A_20 = arith.muli %arg1, %mul3A_19 : i32
    "tpu.region"() ({
      %run_scoped3A = tpu.sem_alloc : memref<!tpu.dma_semaphore, #tpu.memory_space<semaphore_mem>>
      %dma_start3A_21 = arith.constant 0 : i32
      %dma_start3A_22 = tpu.memref_slice %arg6[%arg0, %mul3A_20, %dma_start3A_21] : memref<2x10240x128xf32, #tpu.memory_space<hbm>> -> memref<1x640x128xf32, #tpu.memory_space<hbm>>
      %dma_start3A_23 = tpu.memref_squeeze %dma_start3A_22 : memref<1x640x128xf32, #tpu.memory_space<hbm>> -> memref<640x128xf32, #tpu.memory_space<hbm>>
      %dma_start3A_24 = arith.constant 0 : i32
      %dma_start3A_25 = tpu.memref_slice %arg11[%mul3A_18, %dma_start3A_24] : memref<10240x128xf32, #tpu.memory_space<vmem_shared>> -> memref<640x128xf32, #tpu.memory_space<vmem_shared>>
      tpu.enqueue_dma source(%dma_start3A_25 : memref<640x128xf32, #tpu.memory_space<vmem_shared>>) target(%dma_start3A_23 : memref<640x128xf32, #tpu.memory_space<hbm>>) target_semaphore(%run_scoped3A : memref<!tpu.dma_semaphore, #tpu.memory_space<semaphore_mem>>)
      %dma_wait3A = arith.constant 0 : i32
      %dma_wait3A_26 = tpu.memref_slice %arg6[%arg0, %mul3A_20, %dma_wait3A] : memref<2x10240x128xf32, #tpu.memory_space<hbm>> -> memref<1x640x128xf32, #tpu.memory_space<hbm>>
      %dma_wait3A_27 = tpu.memref_squeeze %dma_wait3A_26 : memref<1x640x128xf32, #tpu.memory_space<hbm>> -> memref<640x128xf32, #tpu.memory_space<hbm>>
      %dma_wait3A_28 = arith.constant 0 : i32
      %dma_wait3A_29 = tpu.memref_slice %arg11[%mul3A_18, %dma_wait3A_28] : memref<10240x128xf32, #tpu.memory_space<vmem_shared>> -> memref<640x128xf32, #tpu.memory_space<vmem_shared>>
      tpu.wait_dma2 semaphore(%run_scoped3A : memref<!tpu.dma_semaphore, #tpu.memory_space<semaphore_mem>>) src(%dma_wait3A_29 : memref<640x128xf32, #tpu.memory_space<vmem_shared>>) dst(%dma_wait3A_27 : memref<640x128xf32, #tpu.memory_space<hbm>>)
      tpu.yield
    }) : () -> ()
    return
  }
}

module attributes {stable_mosaic.version = 14 : i64} {
  func.func @_tc_a_body(%arg0: i32, %arg1: memref<2560x20xf32, #tpu.memory_space<vmem>>, %arg2: memref<2x2560x16xf32, #tpu.memory_space<vmem>>, %arg3: memref<20x128xf32, #tpu.memory_space<vmem>>, %arg4: memref<1x128xf32, #tpu.memory_space<vmem>>, %arg5: memref<20x128xf32, #tpu.memory_space<vmem>>, %arg6: memref<1x128xf32, #tpu.memory_space<vmem>>, %arg7: memref<20x128xf32, #tpu.memory_space<vmem>>, %arg8: memref<1x128xf32, #tpu.memory_space<vmem>>, %arg9: memref<2560x128xf32, #tpu.memory_space<vmem>>, %arg10: memref<2560x128xf32, #tpu.memory_space<vmem>>) attributes {dimension_semantics = [#tpu.dimension_semantics<arbitrary>], iteration_bounds = array<i64: 4>, scalar_prefetch = 0 : i64, scratch_operands = 0 : i64, tpu.core_type = #tpu.core_type<tc>, window_params = [{transform_indices = @transform_0, window_bounds = array<i64: 2560, 20>}, {transform_indices = @transform_1, window_bounds = array<i64: 2, 2560, 16>}, {pipeline_mode = #tpu.pipeline_mode<synchronous>, transform_indices = @transform_2, window_bounds = array<i64: 20, 128>}, {pipeline_mode = #tpu.pipeline_mode<synchronous>, transform_indices = @transform_3, window_bounds = array<i64: 1, 128>}, {pipeline_mode = #tpu.pipeline_mode<synchronous>, transform_indices = @transform_4, window_bounds = array<i64: 20, 128>}, {pipeline_mode = #tpu.pipeline_mode<synchronous>, transform_indices = @transform_5, window_bounds = array<i64: 1, 128>}, {pipeline_mode = #tpu.pipeline_mode<synchronous>, transform_indices = @transform_6, window_bounds = array<i64: 20, 128>}, {pipeline_mode = #tpu.pipeline_mode<synchronous>, transform_indices = @transform_7, window_bounds = array<i64: 1, 128>}, {transform_indices = @transform_8, window_bounds = array<i64: 2560, 128>}, {transform_indices = @transform_9, window_bounds = array<i64: 2560, 128>}]} {
    %get3A = arith.constant 0 : index
    %get3A_0 = arith.constant 0 : index
    %get3A_1 = vector.load %arg1[%get3A, %get3A_0] : memref<2560x20xf32, #tpu.memory_space<vmem>>, vector<2560x20xf32>
    %get3A_2 = arith.constant 0 : index
    %get3A_3 = arith.constant 0 : index
    %get3A_4 = arith.constant 0 : index
    %get3A_5 = vector.load %arg2[%get3A_2, %get3A_3, %get3A_4] : memref<2x2560x16xf32, #tpu.memory_space<vmem>>, vector<2x2560x16xf32>
    %slice3A = vector.extract_strided_slice %get3A_5 {offsets = [0, 0, 0], sizes = [1, 2560, 1], strides = [1, 1, 1]} : vector<2x2560x16xf32> to vector<1x2560x1xf32>
    %squeeze3A = vector.shape_cast %slice3A : vector<1x2560x1xf32> to vector<2560x1xf32>
    %slice3A_6 = vector.extract_strided_slice %get3A_5 {offsets = [1, 0, 0], sizes = [1, 2560, 1], strides = [1, 1, 1]} : vector<2x2560x16xf32> to vector<1x2560x1xf32>
    %squeeze3A_7 = vector.shape_cast %slice3A_6 : vector<1x2560x1xf32> to vector<2560x1xf32>
    %add3A = arith.addf %squeeze3A, %squeeze3A_7 : vector<2560x1xf32>
    %gt3A = arith.constant 0.000000e+00 : f32
    %gt3A_8 = vector.broadcast %gt3A : f32 to vector<2560x1xf32>
    %gt3A_9 = arith.cmpf ogt, %add3A, %gt3A_8 : vector<2560x1xf32>
    %rsqrt3A = math.rsqrt %add3A : vector<2560x1xf32>
    %jit3A = arith.constant 0.000000e+00 : f32
    %broadcast_in_dim3A = vector.broadcast %jit3A : f32 to vector<2560x1xf32>
    %select_n3A = arith.select %gt3A_9, %rsqrt3A, %broadcast_in_dim3A : vector<2560x1xi1>, vector<2560x1xf32>
    %get3A_10 = arith.constant 0 : index
    %get3A_11 = arith.constant 0 : index
    %get3A_12 = vector.load %arg3[%get3A_10, %get3A_11] : memref<20x128xf32, #tpu.memory_space<vmem>>, vector<20x128xf32>
    %dot_general3A = arith.constant dense<0.000000e+00> : vector<2560x128xf32>
    %dot_general3A_13 = tpu.matmul %get3A_1, %get3A_12, %dot_general3A {dimension_numbers = #tpu.dot_dimension_numbers<[1], [0], [0], [1], [0, 0, 1, 1], [], []>, transpose_lhs_hint = false} : vector<2560x20xf32>, vector<20x128xf32>, vector<2560x128xf32> -> vector<2560x128xf32>
    %get3A_14 = arith.constant 0 : index
    %get3A_15 = arith.constant 0 : index
    %get3A_16 = vector.load %arg4[%get3A_14, %get3A_15] : memref<1x128xf32, #tpu.memory_space<vmem>>, vector<1x128xf32>
    %add3A_17 = vector.broadcast %get3A_16 : vector<1x128xf32> to vector<2560x128xf32>
    %add3A_18 = arith.addf %dot_general3A_13, %add3A_17 : vector<2560x128xf32>
    %get3A_19 = arith.constant 0 : index
    %get3A_20 = arith.constant 0 : index
    %get3A_21 = vector.load %arg5[%get3A_19, %get3A_20] : memref<20x128xf32, #tpu.memory_space<vmem>>, vector<20x128xf32>
    %dot_general3A_22 = arith.constant dense<0.000000e+00> : vector<2560x128xf32>
    %dot_general3A_23 = tpu.matmul %get3A_1, %get3A_21, %dot_general3A_22 {dimension_numbers = #tpu.dot_dimension_numbers<[1], [0], [0], [1], [0, 0, 1, 1], [], []>, transpose_lhs_hint = false} : vector<2560x20xf32>, vector<20x128xf32>, vector<2560x128xf32> -> vector<2560x128xf32>
    %get3A_24 = arith.constant 0 : index
    %get3A_25 = arith.constant 0 : index
    %get3A_26 = vector.load %arg6[%get3A_24, %get3A_25] : memref<1x128xf32, #tpu.memory_space<vmem>>, vector<1x128xf32>
    %add3A_27 = vector.broadcast %get3A_26 : vector<1x128xf32> to vector<2560x128xf32>
    %add3A_28 = arith.addf %dot_general3A_23, %add3A_27 : vector<2560x128xf32>
    %get3A_29 = arith.constant 0 : index
    %get3A_30 = arith.constant 0 : index
    %get3A_31 = vector.load %arg7[%get3A_29, %get3A_30] : memref<20x128xf32, #tpu.memory_space<vmem>>, vector<20x128xf32>
    %dot_general3A_32 = arith.constant dense<0.000000e+00> : vector<2560x128xf32>
    %dot_general3A_33 = tpu.matmul %get3A_1, %get3A_31, %dot_general3A_32 {dimension_numbers = #tpu.dot_dimension_numbers<[1], [0], [0], [1], [0, 0, 1, 1], [], []>, transpose_lhs_hint = false} : vector<2560x20xf32>, vector<20x128xf32>, vector<2560x128xf32> -> vector<2560x128xf32>
    %get3A_34 = arith.constant 0 : index
    %get3A_35 = arith.constant 0 : index
    %get3A_36 = vector.load %arg8[%get3A_34, %get3A_35] : memref<1x128xf32, #tpu.memory_space<vmem>>, vector<1x128xf32>
    %add3A_37 = vector.broadcast %get3A_36 : vector<1x128xf32> to vector<2560x128xf32>
    %add3A_38 = arith.addf %dot_general3A_33, %add3A_37 : vector<2560x128xf32>
    %logistic3A = arith.negf %add3A_28 : vector<2560x128xf32>
    %logistic3A_39 = math.exp %logistic3A : vector<2560x128xf32>
    %logistic3A_40 = arith.constant 1.000000e+00 : f32
    %logistic3A_41 = vector.broadcast %logistic3A_40 : f32 to vector<2560x128xf32>
    %logistic3A_42 = arith.addf %logistic3A_41, %logistic3A_39 : vector<2560x128xf32>
    %logistic3A_43 = arith.divf %logistic3A_41, %logistic3A_42 : vector<2560x128xf32>
    %mul3A = arith.mulf %add3A_18, %logistic3A_43 : vector<2560x128xf32>
    %add3A_44 = arith.addf %mul3A, %add3A_38 : vector<2560x128xf32>
    %max3A = arith.constant 0.000000e+00 : f32
    %max3A_45 = vector.broadcast %max3A : f32 to vector<2560x128xf32>
    %max3A_46 = arith.maximumf %add3A_44, %max3A_45 : vector<2560x128xf32>
    %swap3A = arith.constant 0 : index
    %swap3A_47 = arith.constant 0 : index
    %swap3A_48 = vector.load %arg10[%swap3A, %swap3A_47] : memref<2560x128xf32, #tpu.memory_space<vmem>>, vector<2560x128xf32>
    tpu.vector_store %arg10[%swap3A, %swap3A_47], %max3A_46 {strides = array<i32>} : memref<2560x128xf32, #tpu.memory_space<vmem>>, vector<2560x128xf32>,
    %mul3A_49 = vector.broadcast %select_n3A : vector<2560x1xf32> to vector<2560x128xf32>
    %mul3A_50 = arith.mulf %mul3A_49, %max3A_46 : vector<2560x128xf32>
    %swap3A_51 = arith.constant 0 : index
    %swap3A_52 = arith.constant 0 : index
    %swap3A_53 = vector.load %arg9[%swap3A_51, %swap3A_52] : memref<2560x128xf32, #tpu.memory_space<vmem>>, vector<2560x128xf32>
    tpu.vector_store %arg9[%swap3A_51, %swap3A_52], %mul3A_50 {strides = array<i32>} : memref<2560x128xf32, #tpu.memory_space<vmem>>, vector<2560x128xf32>,
    return
  }
  func.func @transform_0(%arg0: i32) -> (i32, i32) {
    %c0_i32 = arith.constant 0 : i32
    %c0_i32_0 = arith.constant 0 : i32
    return %arg0, %c0_i32 : i32, i32
  }
  func.func @transform_1(%arg0: i32) -> (i32, i32, i32) {
    %c0_i32 = arith.constant 0 : i32
    %c0_i32_0 = arith.constant 0 : i32
    %c0_i32_1 = arith.constant 0 : i32
    return %c0_i32, %arg0, %c0_i32_0 : i32, i32, i32
  }
  func.func @transform_2(%arg0: i32) -> (i32, i32) {
    %c0_i32 = arith.constant 0 : i32
    %c0_i32_0 = arith.constant 0 : i32
    %c0_i32_1 = arith.constant 0 : i32
    return %c0_i32, %c0_i32_0 : i32, i32
  }
  func.func @transform_3(%arg0: i32) -> (i32, i32) {
    %c0_i32 = arith.constant 0 : i32
    %c0_i32_0 = arith.constant 0 : i32
    %c0_i32_1 = arith.constant 0 : i32
    return %c0_i32, %c0_i32_0 : i32, i32
  }
  func.func @transform_4(%arg0: i32) -> (i32, i32) {
    %c0_i32 = arith.constant 0 : i32
    %c0_i32_0 = arith.constant 0 : i32
    %c0_i32_1 = arith.constant 0 : i32
    return %c0_i32, %c0_i32_0 : i32, i32
  }
  func.func @transform_5(%arg0: i32) -> (i32, i32) {
    %c0_i32 = arith.constant 0 : i32
    %c0_i32_0 = arith.constant 0 : i32
    %c0_i32_1 = arith.constant 0 : i32
    return %c0_i32, %c0_i32_0 : i32, i32
  }
  func.func @transform_6(%arg0: i32) -> (i32, i32) {
    %c0_i32 = arith.constant 0 : i32
    %c0_i32_0 = arith.constant 0 : i32
    %c0_i32_1 = arith.constant 0 : i32
    return %c0_i32, %c0_i32_0 : i32, i32
  }
  func.func @transform_7(%arg0: i32) -> (i32, i32) {
    %c0_i32 = arith.constant 0 : i32
    %c0_i32_0 = arith.constant 0 : i32
    %c0_i32_1 = arith.constant 0 : i32
    return %c0_i32, %c0_i32_0 : i32, i32
  }
  func.func @transform_8(%arg0: i32) -> (i32, i32) {
    %c0_i32 = arith.constant 0 : i32
    %c0_i32_0 = arith.constant 0 : i32
    return %arg0, %c0_i32 : i32, i32
  }
  func.func @transform_9(%arg0: i32) -> (i32, i32) {
    %c0_i32 = arith.constant 0 : i32
    %c0_i32_0 = arith.constant 0 : i32
    return %arg0, %c0_i32 : i32, i32
  }
}

module attributes {stable_mosaic.version = 14 : i64} {
  func.func @_tc_b_body(%arg0: i32, %arg1: memref<2x2560x128xf32, #tpu.memory_space<vmem>>, %arg2: memref<2560x128xf32, #tpu.memory_space<vmem>>, %arg3: memref<2x2560x16xf32, #tpu.memory_space<vmem>>, %arg4: memref<128x128xf32, #tpu.memory_space<vmem>>, %arg5: memref<128x128xf32, #tpu.memory_space<vmem>>, %arg6: memref<2560x128xf32, #tpu.memory_space<vmem>>, %arg7: memref<2560x128xf32, #tpu.memory_space<vmem>>) attributes {dimension_semantics = [#tpu.dimension_semantics<arbitrary>], iteration_bounds = array<i64: 4>, scalar_prefetch = 0 : i64, scratch_operands = 0 : i64, tpu.core_type = #tpu.core_type<tc>, window_params = [{transform_indices = @transform_0, window_bounds = array<i64: 2, 2560, 128>}, {transform_indices = @transform_1, window_bounds = array<i64: 2560, 128>}, {transform_indices = @transform_2, window_bounds = array<i64: 2, 2560, 16>}, {pipeline_mode = #tpu.pipeline_mode<synchronous>, transform_indices = @transform_3, window_bounds = array<i64: 128, 128>}, {pipeline_mode = #tpu.pipeline_mode<synchronous>, transform_indices = @transform_4, window_bounds = array<i64: 128, 128>}, {transform_indices = @transform_5, window_bounds = array<i64: 2560, 128>}, {transform_indices = @transform_6, window_bounds = array<i64: 2560, 128>}]} {
    %get3A = arith.constant 0 : index
    %get3A_0 = arith.constant 0 : index
    %get3A_1 = arith.constant 0 : index
    %get3A_2 = vector.load %arg3[%get3A, %get3A_0, %get3A_1] : memref<2x2560x16xf32, #tpu.memory_space<vmem>>, vector<2x2560x16xf32>
    %slice3A = vector.extract_strided_slice %get3A_2 {offsets = [0, 0, 0], sizes = [1, 2560, 1], strides = [1, 1, 1]} : vector<2x2560x16xf32> to vector<1x2560x1xf32>
    %squeeze3A = vector.shape_cast %slice3A : vector<1x2560x1xf32> to vector<2560x1xf32>
    %slice3A_3 = vector.extract_strided_slice %get3A_2 {offsets = [1, 0, 0], sizes = [1, 2560, 1], strides = [1, 1, 1]} : vector<2x2560x16xf32> to vector<1x2560x1xf32>
    %squeeze3A_4 = vector.shape_cast %slice3A_3 : vector<1x2560x1xf32> to vector<2560x1xf32>
    %add3A = arith.addf %squeeze3A, %squeeze3A_4 : vector<2560x1xf32>
    %gt3A = arith.constant 0.000000e+00 : f32
    %gt3A_5 = vector.broadcast %gt3A : f32 to vector<2560x1xf32>
    %gt3A_6 = arith.cmpf ogt, %add3A, %gt3A_5 : vector<2560x1xf32>
    %rsqrt3A = math.rsqrt %add3A : vector<2560x1xf32>
    %jit3A = arith.constant 0.000000e+00 : f32
    %broadcast_in_dim3A = vector.broadcast %jit3A : f32 to vector<2560x1xf32>
    %select_n3A = arith.select %gt3A_6, %rsqrt3A, %broadcast_in_dim3A : vector<2560x1xi1>, vector<2560x1xf32>
    %get3A_7 = arith.constant 0 : index
    %get3A_8 = arith.constant 0 : index
    %get3A_9 = arith.constant 0 : index
    %get3A_10 = vector.load %arg1[%get3A_7, %get3A_8, %get3A_9] : memref<2x2560x128xf32, #tpu.memory_space<vmem>>, vector<1x2560x128xf32>
    %get3A_11 = vector.shape_cast %get3A_10 : vector<1x2560x128xf32> to vector<2560x128xf32>
    %get3A_12 = arith.constant 1 : index
    %get3A_13 = arith.constant 0 : index
    %get3A_14 = arith.constant 0 : index
    %get3A_15 = vector.load %arg1[%get3A_12, %get3A_13, %get3A_14] : memref<2x2560x128xf32, #tpu.memory_space<vmem>>, vector<1x2560x128xf32>
    %get3A_16 = vector.shape_cast %get3A_15 : vector<1x2560x128xf32> to vector<2560x128xf32>
    %add3A_17 = arith.addf %get3A_11, %get3A_16 : vector<2560x128xf32>
    %neg3A = arith.constant 0.000000e+00 : f32
    %neg3A_18 = vector.broadcast %neg3A : f32 to vector<2560x1xf32>
    %neg3A_19 = arith.subf %neg3A_18, %select_n3A : vector<2560x1xf32>
    %mul3A = vector.broadcast %neg3A_19 : vector<2560x1xf32> to vector<2560x128xf32>
    %mul3A_20 = arith.mulf %mul3A, %add3A_17 : vector<2560x128xf32>
    %mul3A_21 = vector.broadcast %select_n3A : vector<2560x1xf32> to vector<2560x128xf32>
    %mul3A_22 = arith.mulf %mul3A_21, %mul3A_20 : vector<2560x128xf32>
    %swap3A = arith.constant 0 : index
    %swap3A_23 = arith.constant 0 : index
    %swap3A_24 = vector.load %arg6[%swap3A, %swap3A_23] : memref<2560x128xf32, #tpu.memory_space<vmem>>, vector<2560x128xf32>
    tpu.vector_store %arg6[%swap3A, %swap3A_23], %mul3A_22 {strides = array<i32>} : memref<2560x128xf32, #tpu.memory_space<vmem>>, vector<2560x128xf32>,
    %get3A_25 = arith.constant 0 : index
    %get3A_26 = arith.constant 0 : index
    %get3A_27 = vector.load %arg2[%get3A_25, %get3A_26] : memref<2560x128xf32, #tpu.memory_space<vmem>>, vector<2560x128xf32>
    %get3A_28 = arith.constant 0 : index
    %get3A_29 = arith.constant 0 : index
    %get3A_30 = vector.load %arg4[%get3A_28, %get3A_29] : memref<128x128xf32, #tpu.memory_space<vmem>>, vector<128x128xf32>
    %dot_general3A = arith.constant dense<0.000000e+00> : vector<2560x128xf32>
    %dot_general3A_31 = tpu.matmul %get3A_27, %get3A_30, %dot_general3A {dimension_numbers = #tpu.dot_dimension_numbers<[1], [0], [0], [1], [0, 0, 1, 1], [], []>, transpose_lhs_hint = false} : vector<2560x128xf32>, vector<128x128xf32>, vector<2560x128xf32> -> vector<2560x128xf32>
    %get3A_32 = arith.constant 0 : index
    %get3A_33 = arith.constant 0 : index
    %get3A_34 = vector.load %arg5[%get3A_32, %get3A_33] : memref<128x128xf32, #tpu.memory_space<vmem>>, vector<128x128xf32>
    %dot_general3A_35 = arith.constant dense<0.000000e+00> : vector<2560x128xf32>
    %dot_general3A_36 = tpu.matmul %mul3A_20, %get3A_34, %dot_general3A_35 {dimension_numbers = #tpu.dot_dimension_numbers<[1], [0], [0], [1], [0, 0, 1, 1], [], []>, transpose_lhs_hint = false} : vector<2560x128xf32>, vector<128x128xf32>, vector<2560x128xf32> -> vector<2560x128xf32>
    %add3A_37 = arith.addf %dot_general3A_31, %dot_general3A_36 : vector<2560x128xf32>
    %swap3A_38 = arith.constant 0 : index
    %swap3A_39 = arith.constant 0 : index
    %swap3A_40 = vector.load %arg7[%swap3A_38, %swap3A_39] : memref<2560x128xf32, #tpu.memory_space<vmem>>, vector<2560x128xf32>
    tpu.vector_store %arg7[%swap3A_38, %swap3A_39], %add3A_37 {strides = array<i32>} : memref<2560x128xf32, #tpu.memory_space<vmem>>, vector<2560x128xf32>,
    return
  }
  func.func @transform_0(%arg0: i32) -> (i32, i32, i32) {
    %c0_i32 = arith.constant 0 : i32
    %c0_i32_0 = arith.constant 0 : i32
    %c0_i32_1 = arith.constant 0 : i32
    return %c0_i32, %arg0, %c0_i32_0 : i32, i32, i32
  }
  func.func @transform_1(%arg0: i32) -> (i32, i32) {
    %c0_i32 = arith.constant 0 : i32
    %c0_i32_0 = arith.constant 0 : i32
    return %arg0, %c0_i32 : i32, i32
  }
  func.func @transform_2(%arg0: i32) -> (i32, i32, i32) {
    %c0_i32 = arith.constant 0 : i32
    %c0_i32_0 = arith.constant 0 : i32
    %c0_i32_1 = arith.constant 0 : i32
    return %c0_i32, %arg0, %c0_i32_0 : i32, i32, i32
  }
  func.func @transform_3(%arg0: i32) -> (i32, i32) {
    %c0_i32 = arith.constant 0 : i32
    %c0_i32_0 = arith.constant 0 : i32
    %c0_i32_1 = arith.constant 0 : i32
    return %c0_i32, %c0_i32_0 : i32, i32
  }
  func.func @transform_4(%arg0: i32) -> (i32, i32) {
    %c0_i32 = arith.constant 0 : i32
    %c0_i32_0 = arith.constant 0 : i32
    %c0_i32_1 = arith.constant 0 : i32
    return %c0_i32, %c0_i32_0 : i32, i32
  }
  func.func @transform_5(%arg0: i32) -> (i32, i32) {
    %c0_i32 = arith.constant 0 : i32
    %c0_i32_0 = arith.constant 0 : i32
    return %arg0, %c0_i32 : i32, i32
  }
  func.func @transform_6(%arg0: i32) -> (i32, i32) {
    %c0_i32 = arith.constant 0 : i32
    %c0_i32_0 = arith.constant 0 : i32
    return %arg0, %c0_i32 : i32, i32
  }
}

module attributes {stable_mosaic.version = 14 : i64} {
  func.func @_tc_c_body(%arg0: i32, %arg1: memref<2x2560x128xf32, #tpu.memory_space<vmem>>, %arg2: memref<2560x128xf32, #tpu.memory_space<vmem>>, %arg3: memref<2560x128xf32, #tpu.memory_space<vmem>>, %arg4: memref<2x2560x16xf32, #tpu.memory_space<vmem>>, %arg5: memref<2560x16xf32, #tpu.memory_space<vmem>>, %arg6: memref<128x128xf32, #tpu.memory_space<vmem>>, %arg7: memref<1x128xf32, #tpu.memory_space<vmem>>, %arg8: memref<128x32xf32, #tpu.memory_space<vmem>>, %arg9: memref<1x32xf32, #tpu.memory_space<vmem>>, %arg10: memref<128x32xf32, #tpu.memory_space<vmem>>, %arg11: memref<1x32xf32, #tpu.memory_space<vmem>>, %arg12: memref<128x32xf32, #tpu.memory_space<vmem>>, %arg13: memref<1x32xf32, #tpu.memory_space<vmem>>, %arg14: memref<2560x32xf32, #tpu.memory_space<vmem>>, %arg15: memref<2560x32xf32, #tpu.memory_space<vmem>>) attributes {dimension_semantics = [#tpu.dimension_semantics<arbitrary>], iteration_bounds = array<i64: 4>, scalar_prefetch = 0 : i64, scratch_operands = 0 : i64, tpu.core_type = #tpu.core_type<tc>, window_params = [{transform_indices = @transform_0, window_bounds = array<i64: 2, 2560, 128>}, {transform_indices = @transform_1, window_bounds = array<i64: 2560, 128>}, {transform_indices = @transform_2, window_bounds = array<i64: 2560, 128>}, {transform_indices = @transform_3, window_bounds = array<i64: 2, 2560, 16>}, {transform_indices = @transform_4, window_bounds = array<i64: 2560, 16>}, {pipeline_mode = #tpu.pipeline_mode<synchronous>, transform_indices = @transform_5, window_bounds = array<i64: 128, 128>}, {pipeline_mode = #tpu.pipeline_mode<synchronous>, transform_indices = @transform_6, window_bounds = array<i64: 1, 128>}, {pipeline_mode = #tpu.pipeline_mode<synchronous>, transform_indices = @transform_7, window_bounds = array<i64: 128, 32>}, {pipeline_mode = #tpu.pipeline_mode<synchronous>, transform_indices = @transform_8, window_bounds = array<i64: 1, 32>}, {pipeline_mode = #tpu.pipeline_mode<synchronous>, transform_indices = @transform_9, window_bounds = array<i64: 128, 32>}, {pipeline_mode = #tpu.pipeline_mode<synchronous>, transform_indices = @transform_10, window_bounds = array<i64: 1, 32>}, {pipeline_mode = #tpu.pipeline_mode<synchronous>, transform_indices = @transform_11, window_bounds = array<i64: 128, 32>}, {pipeline_mode = #tpu.pipeline_mode<synchronous>, transform_indices = @transform_12, window_bounds = array<i64: 1, 32>}, {transform_indices = @transform_13, window_bounds = array<i64: 2560, 32>}, {transform_indices = @transform_14, window_bounds = array<i64: 2560, 32>}]} {
    %get3A = arith.constant 0 : index
    %get3A_0 = arith.constant 0 : index
    %get3A_1 = arith.constant 0 : index
    %get3A_2 = vector.load %arg4[%get3A, %get3A_0, %get3A_1] : memref<2x2560x16xf32, #tpu.memory_space<vmem>>, vector<2x2560x16xf32>
    %slice3A = vector.extract_strided_slice %get3A_2 {offsets = [0, 0, 0], sizes = [1, 2560, 1], strides = [1, 1, 1]} : vector<2x2560x16xf32> to vector<1x2560x1xf32>
    %squeeze3A = vector.shape_cast %slice3A : vector<1x2560x1xf32> to vector<2560x1xf32>
    %slice3A_3 = vector.extract_strided_slice %get3A_2 {offsets = [1, 0, 0], sizes = [1, 2560, 1], strides = [1, 1, 1]} : vector<2x2560x16xf32> to vector<1x2560x1xf32>
    %squeeze3A_4 = vector.shape_cast %slice3A_3 : vector<1x2560x1xf32> to vector<2560x1xf32>
    %add3A = arith.addf %squeeze3A, %squeeze3A_4 : vector<2560x1xf32>
    %gt3A = arith.constant 0.000000e+00 : f32
    %gt3A_5 = vector.broadcast %gt3A : f32 to vector<2560x1xf32>
    %gt3A_6 = arith.cmpf ogt, %add3A, %gt3A_5 : vector<2560x1xf32>
    %rsqrt3A = math.rsqrt %add3A : vector<2560x1xf32>
    %jit3A = arith.constant 0.000000e+00 : f32
    %broadcast_in_dim3A = vector.broadcast %jit3A : f32 to vector<2560x1xf32>
    %select_n3A = arith.select %gt3A_6, %rsqrt3A, %broadcast_in_dim3A : vector<2560x1xi1>, vector<2560x1xf32>
    %mul3A = arith.constant -2.000000e+00 : f32
    %mul3A_7 = vector.broadcast %mul3A : f32 to vector<2560x1xf32>
    %mul3A_8 = arith.mulf %mul3A_7, %select_n3A : vector<2560x1xf32>
    %get3A_9 = arith.constant 0 : index
    %get3A_10 = arith.constant 0 : index
    %get3A_11 = arith.constant 0 : index
    %get3A_12 = vector.load %arg1[%get3A_9, %get3A_10, %get3A_11] : memref<2x2560x128xf32, #tpu.memory_space<vmem>>, vector<1x2560x128xf32>
    %get3A_13 = vector.shape_cast %get3A_12 : vector<1x2560x128xf32> to vector<2560x128xf32>
    %get3A_14 = arith.constant 1 : index
    %get3A_15 = arith.constant 0 : index
    %get3A_16 = arith.constant 0 : index
    %get3A_17 = vector.load %arg1[%get3A_14, %get3A_15, %get3A_16] : memref<2x2560x128xf32, #tpu.memory_space<vmem>>, vector<1x2560x128xf32>
    %get3A_18 = vector.shape_cast %get3A_17 : vector<1x2560x128xf32> to vector<2560x128xf32>
    %add3A_19 = arith.addf %get3A_13, %get3A_18 : vector<2560x128xf32>
    %mul3A_20 = vector.broadcast %mul3A_8 : vector<2560x1xf32> to vector<2560x128xf32>
    %mul3A_21 = arith.mulf %mul3A_20, %add3A_19 : vector<2560x128xf32>
    %get3A_22 = arith.constant 0 : index
    %get3A_23 = arith.constant 0 : index
    %get3A_24 = vector.load %arg2[%get3A_22, %get3A_23] : memref<2560x128xf32, #tpu.memory_space<vmem>>, vector<2560x128xf32>
    %sub3A = arith.subf %mul3A_21, %get3A_24 : vector<2560x128xf32>
    %get3A_25 = arith.constant 0 : index
    %get3A_26 = arith.constant 0 : index
    %get3A_27 = vector.load %arg3[%get3A_25, %get3A_26] : memref<2560x128xf32, #tpu.memory_space<vmem>>, vector<2560x128xf32>
    %get3A_28 = arith.constant 0 : index
    %get3A_29 = arith.constant 0 : index
    %get3A_30 = vector.load %arg6[%get3A_28, %get3A_29] : memref<128x128xf32, #tpu.memory_space<vmem>>, vector<128x128xf32>
    %dot_general3A = arith.constant dense<0.000000e+00> : vector<2560x128xf32>
    %dot_general3A_31 = tpu.matmul %sub3A, %get3A_30, %dot_general3A {dimension_numbers = #tpu.dot_dimension_numbers<[1], [0], [0], [1], [0, 0, 1, 1], [], []>, transpose_lhs_hint = false} : vector<2560x128xf32>, vector<128x128xf32>, vector<2560x128xf32> -> vector<2560x128xf32>
    %add3A_32 = arith.addf %get3A_27, %dot_general3A_31 : vector<2560x128xf32>
    %get3A_33 = arith.constant 0 : index
    %get3A_34 = arith.constant 0 : index
    %get3A_35 = vector.load %arg7[%get3A_33, %get3A_34] : memref<1x128xf32, #tpu.memory_space<vmem>>, vector<1x128xf32>
    %add3A_36 = vector.broadcast %get3A_35 : vector<1x128xf32> to vector<2560x128xf32>
    %add3A_37 = arith.addf %add3A_32, %add3A_36 : vector<2560x128xf32>
    %max3A = arith.constant 0.000000e+00 : f32
    %max3A_38 = vector.broadcast %max3A : f32 to vector<2560x128xf32>
    %max3A_39 = arith.maximumf %add3A_37, %max3A_38 : vector<2560x128xf32>
    %get3A_40 = arith.constant 0 : index
    %get3A_41 = arith.constant 0 : index
    %get3A_42 = vector.load %arg8[%get3A_40, %get3A_41] : memref<128x32xf32, #tpu.memory_space<vmem>>, vector<128x32xf32>
    %dot_general3A_43 = arith.constant dense<0.000000e+00> : vector<2560x32xf32>
    %dot_general3A_44 = tpu.matmul %max3A_39, %get3A_42, %dot_general3A_43 {dimension_numbers = #tpu.dot_dimension_numbers<[1], [0], [0], [1], [0, 0, 1, 1], [], []>, transpose_lhs_hint = false} : vector<2560x128xf32>, vector<128x32xf32>, vector<2560x32xf32> -> vector<2560x32xf32>
    %get3A_45 = arith.constant 0 : index
    %get3A_46 = arith.constant 0 : index
    %get3A_47 = vector.load %arg9[%get3A_45, %get3A_46] : memref<1x32xf32, #tpu.memory_space<vmem>>, vector<1x32xf32>
    %add3A_48 = vector.broadcast %get3A_47 : vector<1x32xf32> to vector<2560x32xf32>
    %add3A_49 = arith.addf %dot_general3A_44, %add3A_48 : vector<2560x32xf32>
    %get3A_50 = arith.constant 0 : index
    %get3A_51 = arith.constant 0 : index
    %get3A_52 = vector.load %arg10[%get3A_50, %get3A_51] : memref<128x32xf32, #tpu.memory_space<vmem>>, vector<128x32xf32>
    %dot_general3A_53 = arith.constant dense<0.000000e+00> : vector<2560x32xf32>
    %dot_general3A_54 = tpu.matmul %max3A_39, %get3A_52, %dot_general3A_53 {dimension_numbers = #tpu.dot_dimension_numbers<[1], [0], [0], [1], [0, 0, 1, 1], [], []>, transpose_lhs_hint = false} : vector<2560x128xf32>, vector<128x32xf32>, vector<2560x32xf32> -> vector<2560x32xf32>
    %get3A_55 = arith.constant 0 : index
    %get3A_56 = arith.constant 0 : index
    %get3A_57 = vector.load %arg11[%get3A_55, %get3A_56] : memref<1x32xf32, #tpu.memory_space<vmem>>, vector<1x32xf32>
    %add3A_58 = vector.broadcast %get3A_57 : vector<1x32xf32> to vector<2560x32xf32>
    %add3A_59 = arith.addf %dot_general3A_54, %add3A_58 : vector<2560x32xf32>
    %get3A_60 = arith.constant 0 : index
    %get3A_61 = arith.constant 0 : index
    %get3A_62 = vector.load %arg12[%get3A_60, %get3A_61] : memref<128x32xf32, #tpu.memory_space<vmem>>, vector<128x32xf32>
    %dot_general3A_63 = arith.constant dense<0.000000e+00> : vector<2560x32xf32>
    %dot_general3A_64 = tpu.matmul %max3A_39, %get3A_62, %dot_general3A_63 {dimension_numbers = #tpu.dot_dimension_numbers<[1], [0], [0], [1], [0, 0, 1, 1], [], []>, transpose_lhs_hint = false} : vector<2560x128xf32>, vector<128x32xf32>, vector<2560x32xf32> -> vector<2560x32xf32>
    %get3A_65 = arith.constant 0 : index
    %get3A_66 = arith.constant 0 : index
    %get3A_67 = vector.load %arg13[%get3A_65, %get3A_66] : memref<1x32xf32, #tpu.memory_space<vmem>>, vector<1x32xf32>
    %add3A_68 = vector.broadcast %get3A_67 : vector<1x32xf32> to vector<2560x32xf32>
    %add3A_69 = arith.addf %dot_general3A_64, %add3A_68 : vector<2560x32xf32>
    %logistic3A = arith.negf %add3A_59 : vector<2560x32xf32>
    %logistic3A_70 = math.exp %logistic3A : vector<2560x32xf32>
    %logistic3A_71 = arith.constant 1.000000e+00 : f32
    %logistic3A_72 = vector.broadcast %logistic3A_71 : f32 to vector<2560x32xf32>
    %logistic3A_73 = arith.addf %logistic3A_72, %logistic3A_70 : vector<2560x32xf32>
    %logistic3A_74 = arith.divf %logistic3A_72, %logistic3A_73 : vector<2560x32xf32>
    %mul3A_75 = arith.mulf %add3A_49, %logistic3A_74 : vector<2560x32xf32>
    %add3A_76 = arith.addf %mul3A_75, %add3A_69 : vector<2560x32xf32>
    %max3A_77 = arith.constant 0.000000e+00 : f32
    %max3A_78 = vector.broadcast %max3A_77 : f32 to vector<2560x32xf32>
    %max3A_79 = arith.maximumf %add3A_76, %max3A_78 : vector<2560x32xf32>
    %iota3A = tpu.iota {dimensions = array<i32: 1>} : vector<1x32xi32>
    %lt3A = arith.constant 30 : i32
    %lt3A_80 = vector.broadcast %lt3A : i32 to vector<1x32xi32>
    %lt3A_81 = arith.cmpi slt, %iota3A, %lt3A_80 : vector<1x32xi32>
    %convert_element_type3A = arith.extui %lt3A_81 : vector<1x32xi1> to vector<1x32xi32>
    %convert_element_type3A_82 = arith.sitofp %convert_element_type3A : vector<1x32xi32> to vector<1x32xf32>
    %reduce_sum3A = arith.constant dense<0.000000e+00> : vector<2560xf32>
    %reduce_sum3A_83 = vector.multi_reduction <add>, %max3A_79, %reduce_sum3A [1] : vector<2560x32xf32> to vector<2560xf32>
    %broadcast_in_dim3A_84 = vector.shape_cast %reduce_sum3A_83 : vector<2560xf32> to vector<2560x1xf32>
    %mul3A_85 = arith.constant 0.0333333351 : f32
    %mul3A_86 = vector.broadcast %mul3A_85 : f32 to vector<2560x1xf32>
    %mul3A_87 = arith.mulf %broadcast_in_dim3A_84, %mul3A_86 : vector<2560x1xf32>
    %sub3A_88 = vector.broadcast %mul3A_87 : vector<2560x1xf32> to vector<2560x32xf32>
    %sub3A_89 = arith.subf %max3A_79, %sub3A_88 : vector<2560x32xf32>
    %mul3A_90 = arith.mulf %sub3A_89, %sub3A_89 : vector<2560x32xf32>
    %mul3A_91 = vector.broadcast %convert_element_type3A_82 : vector<1x32xf32> to vector<2560x32xf32>
    %mul3A_92 = arith.mulf %mul3A_90, %mul3A_91 : vector<2560x32xf32>
    %reduce_sum3A_93 = arith.constant dense<0.000000e+00> : vector<2560xf32>
    %reduce_sum3A_94 = vector.multi_reduction <add>, %mul3A_92, %reduce_sum3A_93 [1] : vector<2560x32xf32> to vector<2560xf32>
    %broadcast_in_dim3A_95 = vector.shape_cast %reduce_sum3A_94 : vector<2560xf32> to vector<2560x1xf32>
    %mul3A_96 = arith.constant 0.0333333351 : f32
    %mul3A_97 = vector.broadcast %mul3A_96 : f32 to vector<2560x1xf32>
    %mul3A_98 = arith.mulf %broadcast_in_dim3A_95, %mul3A_97 : vector<2560x1xf32>
    %add3A_99 = arith.constant 9.99999974E-6 : f32
    %add3A_100 = vector.broadcast %add3A_99 : f32 to vector<2560x1xf32>
    %add3A_101 = arith.addf %mul3A_98, %add3A_100 : vector<2560x1xf32>
    %rsqrt3A_102 = math.rsqrt %add3A_101 : vector<2560x1xf32>
    %mul3A_103 = vector.broadcast %rsqrt3A_102 : vector<2560x1xf32> to vector<2560x32xf32>
    %mul3A_104 = arith.mulf %sub3A_89, %mul3A_103 : vector<2560x32xf32>
    %get3A_105 = arith.constant 0 : index
    %get3A_106 = arith.constant 0 : index
    %get3A_107 = vector.load %arg5[%get3A_105, %get3A_106] : memref<2560x16xf32, #tpu.memory_space<vmem>>, vector<2560x1xf32>
    %mul3A_108 = vector.broadcast %get3A_107 : vector<2560x1xf32> to vector<2560x32xf32>
    %mul3A_109 = arith.mulf %mul3A_104, %mul3A_108 : vector<2560x32xf32>
    %get3A_110 = arith.constant 0 : index
    %get3A_111 = arith.constant 1 : index
    %get3A_112 = vector.load %arg5[%get3A_110, %get3A_111] : memref<2560x16xf32, #tpu.memory_space<vmem>>, vector<2560x1xf32>
    %add3A_113 = vector.broadcast %get3A_112 : vector<2560x1xf32> to vector<2560x32xf32>
    %add3A_114 = arith.addf %mul3A_109, %add3A_113 : vector<2560x32xf32>
    %max3A_115 = arith.constant 0.000000e+00 : f32
    %max3A_116 = vector.broadcast %max3A_115 : f32 to vector<2560x32xf32>
    %max3A_117 = arith.maximumf %add3A_114, %max3A_116 : vector<2560x32xf32>
    %swap3A = arith.constant 0 : index
    %swap3A_118 = arith.constant 0 : index
    %swap3A_119 = vector.load %arg14[%swap3A, %swap3A_118] : memref<2560x32xf32, #tpu.memory_space<vmem>>, vector<2560x32xf32>
    tpu.vector_store %arg14[%swap3A, %swap3A_118], %max3A_117 {strides = array<i32>} : memref<2560x32xf32, #tpu.memory_space<vmem>>, vector<2560x32xf32>,
    %mul3A_120 = vector.broadcast %select_n3A : vector<2560x1xf32> to vector<2560x32xf32>
    %mul3A_121 = arith.mulf %mul3A_120, %max3A_117 : vector<2560x32xf32>
    %swap3A_122 = arith.constant 0 : index
    %swap3A_123 = arith.constant 0 : index
    %swap3A_124 = vector.load %arg15[%swap3A_122, %swap3A_123] : memref<2560x32xf32, #tpu.memory_space<vmem>>, vector<2560x32xf32>
    tpu.vector_store %arg15[%swap3A_122, %swap3A_123], %mul3A_121 {strides = array<i32>} : memref<2560x32xf32, #tpu.memory_space<vmem>>, vector<2560x32xf32>,
    return
  }
  func.func @transform_0(%arg0: i32) -> (i32, i32, i32) {
    %c0_i32 = arith.constant 0 : i32
    %c0_i32_0 = arith.constant 0 : i32
    %c0_i32_1 = arith.constant 0 : i32
    return %c0_i32, %arg0, %c0_i32_0 : i32, i32, i32
  }
  func.func @transform_1(%arg0: i32) -> (i32, i32) {
    %c0_i32 = arith.constant 0 : i32
    %c0_i32_0 = arith.constant 0 : i32
    return %arg0, %c0_i32 : i32, i32
  }
  func.func @transform_2(%arg0: i32) -> (i32, i32) {
    %c0_i32 = arith.constant 0 : i32
    %c0_i32_0 = arith.constant 0 : i32
    return %arg0, %c0_i32 : i32, i32
  }
  func.func @transform_3(%arg0: i32) -> (i32, i32, i32) {
    %c0_i32 = arith.constant 0 : i32
    %c0_i32_0 = arith.constant 0 : i32
    %c0_i32_1 = arith.constant 0 : i32
    return %c0_i32, %arg0, %c0_i32_0 : i32, i32, i32
  }
  func.func @transform_4(%arg0: i32) -> (i32, i32) {
    %c0_i32 = arith.constant 0 : i32
    %c0_i32_0 = arith.constant 0 : i32
    return %arg0, %c0_i32 : i32, i32
  }
  func.func @transform_5(%arg0: i32) -> (i32, i32) {
    %c0_i32 = arith.constant 0 : i32
    %c0_i32_0 = arith.constant 0 : i32
    %c0_i32_1 = arith.constant 0 : i32
    return %c0_i32, %c0_i32_0 : i32, i32
  }
  func.func @transform_6(%arg0: i32) -> (i32, i32) {
    %c0_i32 = arith.constant 0 : i32
    %c0_i32_0 = arith.constant 0 : i32
    %c0_i32_1 = arith.constant 0 : i32
    return %c0_i32, %c0_i32_0 : i32, i32
  }
  func.func @transform_7(%arg0: i32) -> (i32, i32) {
    %c0_i32 = arith.constant 0 : i32
    %c0_i32_0 = arith.constant 0 : i32
    %c0_i32_1 = arith.constant 0 : i32
    return %c0_i32, %c0_i32_0 : i32, i32
  }
  func.func @transform_8(%arg0: i32) -> (i32, i32) {
    %c0_i32 = arith.constant 0 : i32
    %c0_i32_0 = arith.constant 0 : i32
    %c0_i32_1 = arith.constant 0 : i32
    return %c0_i32, %c0_i32_0 : i32, i32
  }
  func.func @transform_9(%arg0: i32) -> (i32, i32) {
    %c0_i32 = arith.constant 0 : i32
    %c0_i32_0 = arith.constant 0 : i32
    %c0_i32_1 = arith.constant 0 : i32
    return %c0_i32, %c0_i32_0 : i32, i32
  }
  func.func @transform_10(%arg0: i32) -> (i32, i32) {
    %c0_i32 = arith.constant 0 : i32
    %c0_i32_0 = arith.constant 0 : i32
    %c0_i32_1 = arith.constant 0 : i32
    return %c0_i32, %c0_i32_0 : i32, i32
  }
  func.func @transform_11(%arg0: i32) -> (i32, i32) {
    %c0_i32 = arith.constant 0 : i32
    %c0_i32_0 = arith.constant 0 : i32
    %c0_i32_1 = arith.constant 0 : i32
    return %c0_i32, %c0_i32_0 : i32, i32
  }
  func.func @transform_12(%arg0: i32) -> (i32, i32) {
    %c0_i32 = arith.constant 0 : i32
    %c0_i32_0 = arith.constant 0 : i32
    %c0_i32_1 = arith.constant 0 : i32
    return %c0_i32, %c0_i32_0 : i32, i32
  }
  func.func @transform_13(%arg0: i32) -> (i32, i32) {
    %c0_i32 = arith.constant 0 : i32
    %c0_i32_0 = arith.constant 0 : i32
    return %arg0, %c0_i32 : i32, i32
  }
  func.func @transform_14(%arg0: i32) -> (i32, i32) {
    %c0_i32 = arith.constant 0 : i32
    %c0_i32_0 = arith.constant 0 : i32
    return %arg0, %c0_i32 : i32, i32
  }
}

module attributes {stable_mosaic.version = 14 : i64} {
  func.func @_tc_d_body(%arg0: i32, %arg1: memref<2560x32xf32, #tpu.memory_space<vmem>>, %arg2: memref<2x2560x32xf32, #tpu.memory_space<vmem>>, %arg3: memref<2x2560x16xf32, #tpu.memory_space<vmem>>, %arg4: memref<32x192xf32, #tpu.memory_space<vmem>>, %arg5: memref<32x192xf32, #tpu.memory_space<vmem>>, %arg6: memref<1x192xf32, #tpu.memory_space<vmem>>, %arg7: memref<32x192xf32, #tpu.memory_space<vmem>>, %arg8: memref<32x192xf32, #tpu.memory_space<vmem>>, %arg9: memref<1x192xf32, #tpu.memory_space<vmem>>, %arg10: memref<192x8xf32, #tpu.memory_space<vmem>>, %arg11: memref<1x8xf32, #tpu.memory_space<vmem>>, %arg12: memref<2560x8xf32, #tpu.memory_space<vmem>>) attributes {dimension_semantics = [#tpu.dimension_semantics<arbitrary>], iteration_bounds = array<i64: 4>, scalar_prefetch = 0 : i64, scratch_operands = 0 : i64, tpu.core_type = #tpu.core_type<tc>, window_params = [{transform_indices = @transform_0, window_bounds = array<i64: 2560, 32>}, {transform_indices = @transform_1, window_bounds = array<i64: 2, 2560, 32>}, {transform_indices = @transform_2, window_bounds = array<i64: 2, 2560, 16>}, {pipeline_mode = #tpu.pipeline_mode<synchronous>, transform_indices = @transform_3, window_bounds = array<i64: 32, 192>}, {pipeline_mode = #tpu.pipeline_mode<synchronous>, transform_indices = @transform_4, window_bounds = array<i64: 32, 192>}, {pipeline_mode = #tpu.pipeline_mode<synchronous>, transform_indices = @transform_5, window_bounds = array<i64: 1, 192>}, {pipeline_mode = #tpu.pipeline_mode<synchronous>, transform_indices = @transform_6, window_bounds = array<i64: 32, 192>}, {pipeline_mode = #tpu.pipeline_mode<synchronous>, transform_indices = @transform_7, window_bounds = array<i64: 32, 192>}, {pipeline_mode = #tpu.pipeline_mode<synchronous>, transform_indices = @transform_8, window_bounds = array<i64: 1, 192>}, {pipeline_mode = #tpu.pipeline_mode<synchronous>, transform_indices = @transform_9, window_bounds = array<i64: 192, 8>}, {pipeline_mode = #tpu.pipeline_mode<synchronous>, transform_indices = @transform_10, window_bounds = array<i64: 1, 8>}, {transform_indices = @transform_11, window_bounds = array<i64: 2560, 8>}]} {
    %get3A = arith.constant 0 : index
    %get3A_0 = arith.constant 0 : index
    %get3A_1 = arith.constant 0 : index
    %get3A_2 = vector.load %arg3[%get3A, %get3A_0, %get3A_1] : memref<2x2560x16xf32, #tpu.memory_space<vmem>>, vector<2x2560x16xf32>
    %slice3A = vector.extract_strided_slice %get3A_2 {offsets = [0, 0, 0], sizes = [1, 2560, 1], strides = [1, 1, 1]} : vector<2x2560x16xf32> to vector<1x2560x1xf32>
    %squeeze3A = vector.shape_cast %slice3A : vector<1x2560x1xf32> to vector<2560x1xf32>
    %slice3A_3 = vector.extract_strided_slice %get3A_2 {offsets = [1, 0, 0], sizes = [1, 2560, 1], strides = [1, 1, 1]} : vector<2x2560x16xf32> to vector<1x2560x1xf32>
    %squeeze3A_4 = vector.shape_cast %slice3A_3 : vector<1x2560x1xf32> to vector<2560x1xf32>
    %add3A = arith.addf %squeeze3A, %squeeze3A_4 : vector<2560x1xf32>
    %gt3A = arith.constant 0.000000e+00 : f32
    %gt3A_5 = vector.broadcast %gt3A : f32 to vector<2560x1xf32>
    %gt3A_6 = arith.cmpf ogt, %add3A, %gt3A_5 : vector<2560x1xf32>
    %rsqrt3A = math.rsqrt %add3A : vector<2560x1xf32>
    %jit3A = arith.constant 0.000000e+00 : f32
    %broadcast_in_dim3A = vector.broadcast %jit3A : f32 to vector<2560x1xf32>
    %select_n3A = arith.select %gt3A_6, %rsqrt3A, %broadcast_in_dim3A : vector<2560x1xi1>, vector<2560x1xf32>
    %neg3A = arith.constant 0.000000e+00 : f32
    %neg3A_7 = vector.broadcast %neg3A : f32 to vector<2560x1xf32>
    %neg3A_8 = arith.subf %neg3A_7, %select_n3A : vector<2560x1xf32>
    %get3A_9 = arith.constant 0 : index
    %get3A_10 = arith.constant 0 : index
    %get3A_11 = arith.constant 0 : index
    %get3A_12 = vector.load %arg2[%get3A_9, %get3A_10, %get3A_11] : memref<2x2560x32xf32, #tpu.memory_space<vmem>>, vector<1x2560x32xf32>
    %get3A_13 = vector.shape_cast %get3A_12 : vector<1x2560x32xf32> to vector<2560x32xf32>
    %get3A_14 = arith.constant 1 : index
    %get3A_15 = arith.constant 0 : index
    %get3A_16 = arith.constant 0 : index
    %get3A_17 = vector.load %arg2[%get3A_14, %get3A_15, %get3A_16] : memref<2x2560x32xf32, #tpu.memory_space<vmem>>, vector<1x2560x32xf32>
    %get3A_18 = vector.shape_cast %get3A_17 : vector<1x2560x32xf32> to vector<2560x32xf32>
    %add3A_19 = arith.addf %get3A_13, %get3A_18 : vector<2560x32xf32>
    %mul3A = vector.broadcast %neg3A_8 : vector<2560x1xf32> to vector<2560x32xf32>
    %mul3A_20 = arith.mulf %mul3A, %add3A_19 : vector<2560x32xf32>
    %get3A_21 = arith.constant 0 : index
    %get3A_22 = arith.constant 0 : index
    %get3A_23 = vector.load %arg1[%get3A_21, %get3A_22] : memref<2560x32xf32, #tpu.memory_space<vmem>>, vector<2560x32xf32>
    %get3A_24 = arith.constant 0 : index
    %get3A_25 = arith.constant 0 : index
    %get3A_26 = vector.load %arg4[%get3A_24, %get3A_25] : memref<32x192xf32, #tpu.memory_space<vmem>>, vector<32x192xf32>
    %dot_general3A = arith.constant dense<0.000000e+00> : vector<2560x192xf32>
    %dot_general3A_27 = tpu.matmul %get3A_23, %get3A_26, %dot_general3A {dimension_numbers = #tpu.dot_dimension_numbers<[1], [0], [0], [1], [0, 0, 1, 1], [], []>, transpose_lhs_hint = false} : vector<2560x32xf32>, vector<32x192xf32>, vector<2560x192xf32> -> vector<2560x192xf32>
    %get3A_28 = arith.constant 0 : index
    %get3A_29 = arith.constant 0 : index
    %get3A_30 = vector.load %arg5[%get3A_28, %get3A_29] : memref<32x192xf32, #tpu.memory_space<vmem>>, vector<32x192xf32>
    %dot_general3A_31 = arith.constant dense<0.000000e+00> : vector<2560x192xf32>
    %dot_general3A_32 = tpu.matmul %mul3A_20, %get3A_30, %dot_general3A_31 {dimension_numbers = #tpu.dot_dimension_numbers<[1], [0], [0], [1], [0, 0, 1, 1], [], []>, transpose_lhs_hint = false} : vector<2560x32xf32>, vector<32x192xf32>, vector<2560x192xf32> -> vector<2560x192xf32>
    %add3A_33 = arith.addf %dot_general3A_27, %dot_general3A_32 : vector<2560x192xf32>
    %get3A_34 = arith.constant 0 : index
    %get3A_35 = arith.constant 0 : index
    %get3A_36 = vector.load %arg6[%get3A_34, %get3A_35] : memref<1x192xf32, #tpu.memory_space<vmem>>, vector<1x192xf32>
    %add3A_37 = vector.broadcast %get3A_36 : vector<1x192xf32> to vector<2560x192xf32>
    %add3A_38 = arith.addf %add3A_33, %add3A_37 : vector<2560x192xf32>
    %logistic3A = arith.negf %add3A_38 : vector<2560x192xf32>
    %logistic3A_39 = math.exp %logistic3A : vector<2560x192xf32>
    %logistic3A_40 = arith.constant 1.000000e+00 : f32
    %logistic3A_41 = vector.broadcast %logistic3A_40 : f32 to vector<2560x192xf32>
    %logistic3A_42 = arith.addf %logistic3A_41, %logistic3A_39 : vector<2560x192xf32>
    %logistic3A_43 = arith.divf %logistic3A_41, %logistic3A_42 : vector<2560x192xf32>
    %get3A_44 = arith.constant 0 : index
    %get3A_45 = arith.constant 0 : index
    %get3A_46 = vector.load %arg7[%get3A_44, %get3A_45] : memref<32x192xf32, #tpu.memory_space<vmem>>, vector<32x192xf32>
    %dot_general3A_47 = arith.constant dense<0.000000e+00> : vector<2560x192xf32>
    %dot_general3A_48 = tpu.matmul %get3A_23, %get3A_46, %dot_general3A_47 {dimension_numbers = #tpu.dot_dimension_numbers<[1], [0], [0], [1], [0, 0, 1, 1], [], []>, transpose_lhs_hint = false} : vector<2560x32xf32>, vector<32x192xf32>, vector<2560x192xf32> -> vector<2560x192xf32>
    %get3A_49 = arith.constant 0 : index
    %get3A_50 = arith.constant 0 : index
    %get3A_51 = vector.load %arg8[%get3A_49, %get3A_50] : memref<32x192xf32, #tpu.memory_space<vmem>>, vector<32x192xf32>
    %dot_general3A_52 = arith.constant dense<0.000000e+00> : vector<2560x192xf32>
    %dot_general3A_53 = tpu.matmul %mul3A_20, %get3A_51, %dot_general3A_52 {dimension_numbers = #tpu.dot_dimension_numbers<[1], [0], [0], [1], [0, 0, 1, 1], [], []>, transpose_lhs_hint = false} : vector<2560x32xf32>, vector<32x192xf32>, vector<2560x192xf32> -> vector<2560x192xf32>
    %add3A_54 = arith.addf %dot_general3A_48, %dot_general3A_53 : vector<2560x192xf32>
    %get3A_55 = arith.constant 0 : index
    %get3A_56 = arith.constant 0 : index
    %get3A_57 = vector.load %arg9[%get3A_55, %get3A_56] : memref<1x192xf32, #tpu.memory_space<vmem>>, vector<1x192xf32>
    %add3A_58 = vector.broadcast %get3A_57 : vector<1x192xf32> to vector<2560x192xf32>
    %add3A_59 = arith.addf %add3A_54, %add3A_58 : vector<2560x192xf32>
    %tanh3A = math.tanh %add3A_59 : vector<2560x192xf32>
    %sub3A = arith.constant 1.000000e+00 : f32
    %sub3A_60 = vector.broadcast %sub3A : f32 to vector<2560x192xf32>
    %sub3A_61 = arith.subf %sub3A_60, %logistic3A_43 : vector<2560x192xf32>
    %mul3A_62 = arith.mulf %sub3A_61, %tanh3A : vector<2560x192xf32>
    %max3A = arith.constant 0.000000e+00 : f32
    %max3A_63 = vector.broadcast %max3A : f32 to vector<2560x192xf32>
    %max3A_64 = arith.maximumf %mul3A_62, %max3A_63 : vector<2560x192xf32>
    %get3A_65 = arith.constant 0 : index
    %get3A_66 = arith.constant 0 : index
    %get3A_67 = vector.load %arg10[%get3A_65, %get3A_66] : memref<192x8xf32, #tpu.memory_space<vmem>>, vector<192x8xf32>
    %dot_general3A_68 = arith.constant dense<0.000000e+00> : vector<2560x8xf32>
    %dot_general3A_69 = tpu.matmul %max3A_64, %get3A_67, %dot_general3A_68 {dimension_numbers = #tpu.dot_dimension_numbers<[1], [0], [0], [1], [0, 0, 1, 1], [], []>, transpose_lhs_hint = false} : vector<2560x192xf32>, vector<192x8xf32>, vector<2560x8xf32> -> vector<2560x8xf32>
    %get3A_70 = arith.constant 0 : index
    %get3A_71 = arith.constant 0 : index
    %get3A_72 = vector.load %arg11[%get3A_70, %get3A_71] : memref<1x8xf32, #tpu.memory_space<vmem>>, vector<1x8xf32>
    %add3A_73 = vector.broadcast %get3A_72 : vector<1x8xf32> to vector<2560x8xf32>
    %add3A_74 = arith.addf %dot_general3A_69, %add3A_73 : vector<2560x8xf32>
    %iota3A = tpu.iota {dimensions = array<i32: 1>} : vector<1x8xi32>
    %lt3A = arith.constant 6 : i32
    %lt3A_75 = vector.broadcast %lt3A : i32 to vector<1x8xi32>
    %lt3A_76 = arith.cmpi slt, %iota3A, %lt3A_75 : vector<1x8xi32>
    %jit3A_77 = arith.constant -1.000000e+30 : f32
    %broadcast_in_dim3A_78 = vector.shape_cast %lt3A_76 : vector<1x8xi1> to vector<1x8xi1>
    %broadcast_in_dim3A_79 = vector.broadcast %broadcast_in_dim3A_78 : vector<1x8xi1> to vector<2560x8xi1>
    %broadcast_in_dim3A_80 = vector.broadcast %jit3A_77 : f32 to vector<2560x8xf32>
    %select_n3A_81 = arith.select %broadcast_in_dim3A_79, %add3A_74, %broadcast_in_dim3A_80 : vector<2560x8xi1>, vector<2560x8xf32>
    %reduce_max3A = arith.constant dense<0xFF800000> : vector<2560xf32>
    %reduce_max3A_82 = vector.multi_reduction <maximumf>, %select_n3A_81, %reduce_max3A [1] : vector<2560x8xf32> to vector<2560xf32>
    %broadcast_in_dim3A_83 = vector.shape_cast %reduce_max3A_82 : vector<2560xf32> to vector<2560x1xf32>
    %sub3A_84 = vector.broadcast %broadcast_in_dim3A_83 : vector<2560x1xf32> to vector<2560x8xf32>
    %sub3A_85 = arith.subf %select_n3A_81, %sub3A_84 : vector<2560x8xf32>
    %exp3A = math.exp %sub3A_85 : vector<2560x8xf32>
    %reduce_sum3A = arith.constant dense<0.000000e+00> : vector<2560xf32>
    %reduce_sum3A_86 = vector.multi_reduction <add>, %exp3A, %reduce_sum3A [1] : vector<2560x8xf32> to vector<2560xf32>
    %broadcast_in_dim3A_87 = vector.shape_cast %reduce_sum3A_86 : vector<2560xf32> to vector<2560x1xf32>
    %log3A = math.log %broadcast_in_dim3A_87 : vector<2560x1xf32>
    %add3A_88 = arith.addf %log3A, %broadcast_in_dim3A_83 : vector<2560x1xf32>
    %sub3A_89 = vector.broadcast %add3A_88 : vector<2560x1xf32> to vector<2560x8xf32>
    %sub3A_90 = arith.subf %add3A_74, %sub3A_89 : vector<2560x8xf32>
    %swap3A = arith.constant 0 : index
    %swap3A_91 = arith.constant 0 : index
    %swap3A_92 = vector.load %arg12[%swap3A, %swap3A_91] : memref<2560x8xf32, #tpu.memory_space<vmem>>, vector<2560x8xf32>
    tpu.vector_store %arg12[%swap3A, %swap3A_91], %sub3A_90 {strides = array<i32>} : memref<2560x8xf32, #tpu.memory_space<vmem>>, vector<2560x8xf32>,
    return
  }
  func.func @transform_0(%arg0: i32) -> (i32, i32) {
    %c0_i32 = arith.constant 0 : i32
    %c0_i32_0 = arith.constant 0 : i32
    return %arg0, %c0_i32 : i32, i32
  }
  func.func @transform_1(%arg0: i32) -> (i32, i32, i32) {
    %c0_i32 = arith.constant 0 : i32
    %c0_i32_0 = arith.constant 0 : i32
    %c0_i32_1 = arith.constant 0 : i32
    return %c0_i32, %arg0, %c0_i32_0 : i32, i32, i32
  }
  func.func @transform_2(%arg0: i32) -> (i32, i32, i32) {
    %c0_i32 = arith.constant 0 : i32
    %c0_i32_0 = arith.constant 0 : i32
    %c0_i32_1 = arith.constant 0 : i32
    return %c0_i32, %arg0, %c0_i32_0 : i32, i32, i32
  }
  func.func @transform_3(%arg0: i32) -> (i32, i32) {
    %c0_i32 = arith.constant 0 : i32
    %c0_i32_0 = arith.constant 0 : i32
    %c0_i32_1 = arith.constant 0 : i32
    return %c0_i32, %c0_i32_0 : i32, i32
  }
  func.func @transform_4(%arg0: i32) -> (i32, i32) {
    %c0_i32 = arith.constant 0 : i32
    %c0_i32_0 = arith.constant 0 : i32
    %c0_i32_1 = arith.constant 0 : i32
    return %c0_i32, %c0_i32_0 : i32, i32
  }
  func.func @transform_5(%arg0: i32) -> (i32, i32) {
    %c0_i32 = arith.constant 0 : i32
    %c0_i32_0 = arith.constant 0 : i32
    %c0_i32_1 = arith.constant 0 : i32
    return %c0_i32, %c0_i32_0 : i32, i32
  }
  func.func @transform_6(%arg0: i32) -> (i32, i32) {
    %c0_i32 = arith.constant 0 : i32
    %c0_i32_0 = arith.constant 0 : i32
    %c0_i32_1 = arith.constant 0 : i32
    return %c0_i32, %c0_i32_0 : i32, i32
  }
  func.func @transform_7(%arg0: i32) -> (i32, i32) {
    %c0_i32 = arith.constant 0 : i32
    %c0_i32_0 = arith.constant 0 : i32
    %c0_i32_1 = arith.constant 0 : i32
    return %c0_i32, %c0_i32_0 : i32, i32
  }
  func.func @transform_8(%arg0: i32) -> (i32, i32) {
    %c0_i32 = arith.constant 0 : i32
    %c0_i32_0 = arith.constant 0 : i32
    %c0_i32_1 = arith.constant 0 : i32
    return %c0_i32, %c0_i32_0 : i32, i32
  }
  func.func @transform_9(%arg0: i32) -> (i32, i32) {
    %c0_i32 = arith.constant 0 : i32
    %c0_i32_0 = arith.constant 0 : i32
    %c0_i32_1 = arith.constant 0 : i32
    return %c0_i32, %c0_i32_0 : i32, i32
  }
  func.func @transform_10(%arg0: i32) -> (i32, i32) {
    %c0_i32 = arith.constant 0 : i32
    %c0_i32_0 = arith.constant 0 : i32
    %c0_i32_1 = arith.constant 0 : i32
    return %c0_i32, %c0_i32_0 : i32, i32
  }
  func.func @transform_11(%arg0: i32) -> (i32, i32) {
    %c0_i32 = arith.constant 0 : i32
    %c0_i32_0 = arith.constant 0 : i32
    return %arg0, %c0_i32 : i32, i32
  }
}

</mosaic_0001>

<sc_bundles>
// kernel: kernel.10.cloned.1.call-start
scs
__scs_entry_jumppad:
0x0: {  	(pc) =	sbr.rel $0x88, $3  }
0x1: {  	(tag) =	ssettag $0x0;
	lr =	simm.s32 $0x1  }
0x2: {  	[smem:$0x3F87] =	sst lr;
	_ =	strace $0xD0000000  }
0x3: {  	_ = 	snop  }
0x4: {  	_ = 	snop  }
0x5: {  	_ = 	snop  }
0x6: {  	_ = 	snop  }
0x7: {  	_ = 	snop  }
__scs_overlays_trampoline_lowered:
0x8: {  	[smem:$0x3F96] =	sst s0  }
0x9: {  	[smem:$0x3F97] =	sst s1  }
0xa: {  	[smem:$0x3F98] =	sst s2  }
0xb: {  	[smem:$0x3F99] =	sst s3  }
0xc: {  	[smem:$0x3F9A] =	sst s4  }
0xd: {  	[smem:$0x3F9B] =	sst s5  }
0xe: {  	[smem:$0x3F9C] =	sst s6  }
0xf: {  	[smem:$0x3F9D] =	sst s7  }
0x10: {  	[smem:$0x3F9E] =	sst s8  }
0x11: {  	[smem:$0x3F9F] =	sst s9;
	s0 =	simm.s32 @!p0 $0x0  }
0x12: {  	s1 =	sld [smem:$0x3F85];
	s0 =	simm.s32 @p0 $0x1  }
0x13: {  	[smem:$0x3FA0] =	sst s0;
	s0 =	simm.s32 @!p1 $0x0  }
0x14: {  	s2 =	sld [smem:$0x3F84];
	s0 =	simm.s32 @p1 $0x1  }
0x15: {  	[smem:$0x3FA1] =	sst s0;
	s0 =	simm.s32 @!p2 $0x0  }
0x16: {  	s3 =	sld [smem:$0x3FDB];
	s0 =	simm.s32 @p2 $0x1  }
0x17: {  	s4 =	simm.s32 $0x1BF5;
	[smem:$0x3FA3] =	sst s0  }
0x18: {  	s0 =	sld [smem:$0x3F86];
	_ =	swait.ge [sflag:s4], $0x0  }
0x19: {  	s7 =	sld [smem:$0x3F87]  }
0x1a: {  	s8 =	sadd.s32 $0xFFFFE003, lr  }
0x1b: {  	s9 =	sadd.s32 $0xFFFFFEF7, lr;
	s5 =	simm.s32 $0xFFFFFFFF;
	p2 =	slt.u32 s8, $0xFFFFF086  }
0x1c: {  	p1 =	slt.u32 s9, $0xF7A;
	s5 =	simm.s32 @!p2 $0x0  }
0x1d: {  	s5 =	simm.s32 @p1 $0x1;
	p0 =	seq.s32 s7, s2  }
0x1e: {  	s7 =	smul.u32 @!p0 $0xF7A, s2;
	p2 =	seq.s32 @!p0 s5, $0x0  }
0x1f: {  	s9 =	smul.u32 $0xF7A, s1;
	s8 =	simm.s32 @!p0 $0x1BF5;
	p2 =	por !p2, p0  }
0x20: {  	[sflag:s8] =	ssyncset.s32 @!p0 $0xFFFFF086;
	s6 =	sadd.s32 @!p0 s3, s7;
	s7 =	simm.s32 @!p0 $0x108  }
0x21: {  	s3 =	sadd.s32 s3, s9;
	s6 =	sadd.s32 @!p0 $0x88, s6;
	s7 =	simm.s32 @p2 $0x1082  }
0x22: {  	[simem:s7], [sflag:s8] =	dma.local @!p0 [hbm:s6], $0xF7A  }
0x23: {  	s9 =	sor.u32 $0xD0000000, s2;
	s6 =	simm.s32 $0x108;
	_ =	swait.ge @!p0 [sflag:s8], $0x0  }
0x24: {  	s3 =	sadd.s32 $0x88, s3;
	s6 =	simm.s32 @!p1 $0x1082;
	[sflag:s4] =	ssyncset.s32 $0xFFFFF086  }
0x25: {  	[simem:s6], [sflag:s4] =	dma.local [hbm:s3], $0xF7A  }
0x26: {  	[smem:$0x3F87] =	sst s1;
	(tag) =	ssettag s2;
	_ =	strace s9  }
0x27: {  	s1 =	sld [smem:$0x3F97]  }
0x28: {  	s2 =	sld [smem:$0x3F98]  }
0x29: {  	s4 =	sld [smem:$0x3F9A]  }
0x2a: {  	p0 =	seq.s32 s5, $0x0;
	s5 =	sld [smem:$0x3F9B]  }
0x2b: {  	s6 =	sld [smem:$0x3F9C]  }
0x2c: {  	s7 =	sld [smem:$0x3F9D]  }
0x2d: {  	s3 =	simm.s32 $0x108;
	s8 =	sld [smem:$0x3F9E]  }
0x2e: {  	s3 =	simm.s32 @!p0 $0x1082;
	s9 =	sld [smem:$0x3F9F]  }
0x2f: {  	lr =	sadd.s32 s0, s3;
	s0 =	sld [smem:$0x3F96]  }
0x30: {  	s3 =	sld [smem:$0x3F99]  }
0x31: {  	[smem:$0x3FA2] =	sst s10  }
0x32: {  	s10 =	sld [smem:$0x3FA0];
	_ =	sdelay $0x3  }
0x33: {  	p0 =	seq.s32 s10, $0x1;
	s10 =	sld [smem:$0x3FA2];
	_ =	sdelay $0x3  }
0x34: {  	[smem:$0x3FA2] =	sst s10  }
0x35: {  	s10 =	sld [smem:$0x3FA1];
	_ =	sdelay $0x3  }
0x36: {  	p1 =	seq.s32 s10, $0x1;
	s10 =	sld [smem:$0x3FA2];
	_ =	sdelay $0x3  }
0x37: {  	[smem:$0x3FA2] =	sst s10  }
0x38: {  	s10 =	sld [smem:$0x3FA3]  }
0x39: {  	_ = 	snop;
	(pc) =	sbr.ind lr, $3  }
0x3a: {  	_ = 	snop  }
0x3b: {  	_ = 	snop  }
0x3c: {  	p2 =	seq.s32 s10, $0x1;
	s10 =	sld [smem:$0x3FA2]  }
0x3d: {  	_ =	shalt  }
0x3e: {  	_ =	shalt  }
0x3f: {  	_ =	shalt  }
0x40: {  	_ =	shalt  }
0x41: {  	_ =	shalt  }
0x42: {  	_ =	shalt  }
0x43: {  	_ =	shalt  }
0x44: {  	_ =	shalt  }
0x45: {  	_ =	shalt  }
0x46: {  	_ =	shalt  }
0x47: {  	_ =	shalt  }
0x48: {  	_ =	shalt  }
0x49: {  	_ =	shalt  }
0x4a: {  	_ =	shalt  }
0x4b: {  	_ =	shalt  }
0x4c: {  	_ =	shalt  }
0x4d: {  	_ =	shalt  }
0x4e: {  	_ =	shalt  }
0x4f: {  	_ =	shalt  }
0x50: {  	_ =	shalt  }
0x51: {  	_ =	shalt  }
0x52: {  	_ =	shalt  }
0x53: {  	_ =	shalt  }
0x54: {  	_ =	shalt  }
0x55: {  	_ =	shalt  }
0x56: {  	_ =	shalt  }
0x57: {  	_ =	shalt  }
0x58: {  	_ =	shalt  }
0x59: {  	_ =	shalt  }
0x5a: {  	_ =	shalt  }
0x5b: {  	_ =	shalt  }
0x5c: {  	_ =	shalt  }
0x5d: {  	_ =	shalt  }
0x5e: {  	_ =	shalt  }
0x5f: {  	_ =	shalt  }
0x60: {  	_ =	shalt  }
0x61: {  	_ =	shalt  }
0x62: {  	_ =	shalt  }
0x63: {  	_ =	shalt  }
0x64: {  	_ =	shalt  }
0x65: {  	_ =	shalt  }
0x66: {  	_ =	shalt  }
0x67: {  	_ =	shalt  }
0x68: {  	_ =	shalt  }
0x69: {  	_ =	shalt  }
0x6a: {  	_ =	shalt  }
0x6b: {  	_ =	shalt  }
0x6c: {  	_ =	shalt  }
0x6d: {  	_ =	shalt  }
0x6e: {  	_ =	shalt  }
0x6f: {  	_ =	shalt  }
0x70: {  	_ =	shalt  }
0x71: {  	_ =	shalt  }
0x72: {  	_ =	shalt  }
0x73: {  	_ =	shalt  }
0x74: {  	_ =	shalt  }
0x75: {  	_ =	shalt  }
0x76: {  	_ =	shalt  }
0x77: {  	_ =	shalt  }
0x78: {  	_ =	shalt  }
0x79: {  	_ =	shalt  }
0x7a: {  	_ =	shalt  }
0x7b: {  	_ =	shalt  }
0x7c: {  	_ =	shalt  }
0x7d: {  	_ =	shalt  }
0x7e: {  	_ =	shalt  }
0x7f: {  	_ =	shalt  }
0x80: {  	_ =	shalt  }
0x81: {  	_ =	shalt  }
0x82: {  	_ =	shalt  }
0x83: {  	_ =	shalt  }
0x84: {  	_ =	shalt  }
0x85: {  	_ =	shalt  }
0x86: {  	_ =	shalt  }
0x87: {  	_ =	shalt  }
.Lfunc_end0:
.L_simem_size_0:
called_computation_lowered:
.L_overlay_start_0:
0x88: {  	s2 =	sld [smem:$0x3FD9]  }
0x89: {  	s3 =	sld [smem:$0x3FFE];
	_ =	sdelay $0x1  }
0x8a: {  	s1 =	srdreg.scid  }
0x8b: {  	s0 =	sand.u32 $0x1, s1  }
0x8c: {  	s17 =	sshll.u32 s0, $0xA;
	s2 =	sadd.s32 s3, s2  }
0x8d: {  	s2 =	sadd.s32 s2, s17  }
0x8e: {  	[smem:$0x3FAE] =	sst s2  }
0x8f: {  	_ = 	snop  }
0x90: {  	s2 =	sld [smem:$0x3FD0];
	(tm) =	ssettm $0x1  }
0x91: {  	s18 =	sld [smem:$0x3FFB];
	_ =	sdelay $0x3  }
0x92: {  	_ =	strace s18  }
0x93: {  	s3 =	sld [smem:$0x3FFC];
	_ =	sdelay $0x3  }
0x94: {  	_ =	strace s3  }
0x95: {  	s3 =	sld [smem:$0x3FFD];
	_ =	sdelay $0x3  }
0x96: {  	_ =	strace s3  }
0x97: {  	_ =	strace $0x8FFFFFFF  }
0x98: {  	s19 =	sld [smem:$0x3FDB];
	_ =	sdelay $0x1  }
0x99: {  	s4 =	simm.s32 $_scs_section_size  }
0x9a: {  	s5 =	simm.s32 $_size__tile_overlayer_lowered;
	s6 =	simm.s32 $_tile_overlayer_lowered  }
0x9b: {  	s22 =	simm.s32 $0x1BFF;
	s21 =	sshll.u32 s6, $0x1;
	s3 =	sadd.s32 s4, s19  }
0x9c: {  	s7 =	simm.s32 $0x0;
	s20 =	sshll.u32 s5, $0x1;
	s5 =	sadd.s32 s21, s3  }
0x9d: {  	[timem:s7], [sflag:s22] =	dma.local [hbm:s5], s20  }
0x9e: {  	_ =	swait.ge [sflag:s22], s20  }
0x9f: {  	s4 =	ssub.s32 $0x0, s20;
	[sflag:s22] =	ssyncset.done $0x0  }
0xa0: {  	[sflag:s22] =	ssyncadd.s32 s4;
	_ =	sdelay $0x1  }
0xa1: {  	s23 =	simm.s32 $0x1B8B  }
0xa2: {  	_ =	swait.ge [sflag:s23], $0x1  }
0xa3: {  	[sflag:s23] =	ssyncset.done $0x0  }
0xa4: {  	s25 =	simm.s32 $0x1B8E;
	s24 =	sld [smem:$0x3FFE];
	[sflag:s23] =	ssyncadd.s32 $0xFFFFFFFF  }
0xa5: {  	s26 =	simm.s32 $execute0_lowered;
	[smem:$0x3FD2] =	sst s25  }
0xa6: {  	s5 =	sshll.u32 s26, $0x1;
	_ =	strace $0x80000046;
	[dreg:$0x1] =	wrdreg $0xFFFFFFFF  }
0xa7: {  	s28 =	simm.s32 $_size_execute0_lowered;
	s3 =	sadd.s32 s3, s5;
	[dreg:$0x0] =	wrdreg $0x0  }
0xa8: {  	s5 =	sshll.u32 s28, $0x1;
	[dreg:$0x2] =	wrdreg s3  }
0xa9: {  	[dreg:$0x3] =	wrdreg s5  }
0xaa: {  	[dreg:$0x4] =	wrdreg $0xC0  }
0xab: {  	_ =	task [dreg:s7], $0x5FFFF  }
0xac: {  	[dreg:$0x1] =	wrdreg $0xFFFFFFFF  }
0xad: {  	[dreg:$0x0] =	wrdreg $0x60  }
0xae: {  	[dreg:$0x2] =	wrdreg s24  }
0xaf: {  	[dreg:$0x3] =	wrdreg s2  }
0xb0: {  	[dreg:$0x4] =	wrdreg $0x1C000  }
0xb1: {  	[dreg:$0x5] =	wrdreg $0x9  }
0xb2: {  	_ =	task.clear_ibuf [dreg:s7], $0x6FFFF;
	_ =	strace $0x90000046  }
0xb3: {  	s29 =	simm.s32 $0x9;
	_ =	strace $0x80000048  }
0xb4: {  	_ =	swait.ge [sflag:s29], $0x1  }
0xb5: {  	[sflag:s29] =	ssyncadd.s32 $0xFFFFFFFF  }
0xb6: {  	_ =	strace $0x90000048  }
0xb7: {  	_ =	sfence  }
0xb8: {  	s30 =	sld [smem:$0x0];
	_ =	sdelay $0x2  }
0xb9: {  	s31 =	sshll.u32 s1, $0xD;
	s1 =	sshrl.u32 s1, $0x2  }
0xba: {  	s3 =	sand.u32 $0x4000, s31;
	s1 =	sadd.s32 s1, s30  }
0xbb: {  	s0 =	sor.u32 s3, s0;
	s1 =	sshll.u32 s1, $0x11  }
0xbc: {  	s0 =	sor.u32 s1, s0  }
0xbd: {  	s0 =	sadd.s32 $0x8F2B, s0  }
0xbe: {  	[sflag:s0] =	ssyncadd.remote.s32 $0x1  }
0xbf: {  	_ =	sfence.sel $0xFFFF  }
0xc0: {  	[dreg:$0x0] =	wrdreg $0xFFFFFFFF;
	(pc) =	sbr.abs _section_cstart, $3  }
0xc1: {  	[dreg:$0x1] =	wrdreg $0xFFFFFFFF  }
0xc2: {  	_ =	task.clear_ibuf [dreg:s7], $0x2FFFF;
	_ =	strace $0x9FFFFFFF  }
0xc3: {  	(tm) =	ssettm $0x7FFFFFFF  }
tec
execute0_lowered:
.L_overlay_start_1:
0x0: {  	(tag) =	ssettag $0x1  }
0x1: {  	s5 =	rddreg [dreg:$0x0]  }
0x2: {  	s1 =	srdreg.scid;
	s2 =	rddreg [dreg:$0x1]  }
0x3: {  	s0 =	stileid.u32;
	s3 =	rddreg [dreg:$0x2];
	s4 =	simm.s32 $0x0  }
0x4: {  	s13 =	simm.s32 $0x80;
	s14 =	simm.s32 $0x0;
	s6 =	sand.u32 $0x1, s1  }
0x5: {  	s30 =	sshll.u32 s0, $0x1;
	s8 =	smul.u32 $0x2800, s0;
	[smem:$0x7FF] =	sst s4  }
0x6: {  	s31 =	sshll.u32 s0, $0x6;
	s1 =	sor.u32 s6, s30;
	s9 =	smul.u32 $0x28000, s6  }
0x7: {  	s6 =	ssub.s32 $0x2, s6;
	s7 =	smul.u32 $0x280, s1;
	s1 =	rddreg [dreg:$0x3]  }
0x8: {  	_ =	strace $0x80000047;
	s10 =	sshrl.u32 s8, $0x3;
	s11 =	sshrl.u32 s6, $0x1  }
0x9: {  	s12 =	sadd.s32 s8, s3;
	s9 =	sadd.s32 s8, s9;
	s10 =	sadd.s32 s10, s5  }
0xa: {  	s11 =	ssub.s32 s6, s11;
	s6 =	sor.u32 $0x1C01, s31;
	s9 =	sshrl.u32 s9, $0x3  }
0xb: {  	s7 =	sadd.s32 s7, s5;
	s9 =	sadd.s32 s9, s5;
	s5 =	sadd.s32 $0x9400, s10  }
0xc: {  	s7 =	sadd.s32 $0x4400, s7;
	s10 =	sshrl.u32 s12, $0x3;
	s12 =	simm.s32 $0x1400  }
0xd: {  	s8 =	sadd.s32 $0xE400, s9;
	s9 =	smax.u32 s11, $0x1;
	s11 =	simm.s32 $0x1  }
.LBB2_1:
0xe: {  	[spmem:s10], [sflag:s6] =	dma.local [hbm:s5], $0x500  }
0xf: {  	_ =	swait.ge [sflag:s11], $0x500  }
0x10: {  	[sflag:s11] =	ssyncset.done $0x0  }
0x11: {  	[sflag:s11] =	ssyncadd.s32 $0xFFFFFB00  }
0x12: {  	[tilespmem:s12], [sflag:$0x1] =	stream.linear.gather [hbm4b:s2+s4], $0x800, $0x38;
	[tilespmem:$0x4400] =	vst v63  }
0x13: {  	_ =	swait.ge [sflag:s11], $0x800  }
0x14: {  	[sflag:s11] =	ssyncset.done $0x0  }
0x15: {  	[sflag:s11] =	ssyncadd.s32 $0xFFFFF800  }
0x16: {  	[tilespmem:s4], [sflag:$0x1] =	stream.linear.gather [hbm4b:s7+s4], $0x1400, $0x38;
	[tilespmem:$0x4400] =	vst v63  }
0x17: {  	_ =	swait.ge [sflag:s11], $0x1400  }
0x18: {  	[sflag:s11] =	ssyncset.done $0x0  }
0x19: {  	[sflag:s11] =	ssyncadd.s32 $0xFFFFEC00  }
0x1a: {  	s15 =	simm.s32 $0x0;
	[bflag:$0x0] =	sbarrier.arrive $0xFFFF  }
0x1b: {  	[spmem:s3] =	stream.indirect.scatter.add.f32 [tilespmem:s12], [sflag:$0x1], $0x10, s15, s13, $0xb8;
	[tilespmem:$0x4400] =	vst v63  }
0x1c: {  	_ =	swait.ge [sflag:s11], $0x800  }
0x1d: {  	s15 =	simm.s32 $0x200;
	[sflag:s11] =	ssyncset.done $0x0  }
.LBB2_2:
0x1e: {  	s16 =	sshra.s32 s15, $0x2;
	[sflag:s11] =	ssyncadd.s32 $0xFFFFF800;
	p0 =	sne.s32 s15, $0x4E00  }
0x1f: {  	[spmem:s3] =	stream.indirect.scatter.add.f32 [tilespmem:s12], [sflag:$0x1], $0x10, s16, s13, $0xb8;
	[tilespmem:$0x4400] =	vst v63  }
.Ltmp0:
0x20: {  	_ = 	snop;
	(pc) =	sbr.rel @p0 .LBB2_2-.Ltmp0, $4  }
0x21: {  	_ = 	snop  }
0x22: {  	s15 =	sadd.s32 $0x200, s15  }
0x23: {  	_ =	swait.ge [sflag:s11], $0x800  }
0x24: {  	[sflag:s11] =	ssyncset.done $0x0  }
0x25: {  	s14 =	sadd.s32 $0x1, s14  }
0x26: {  	[sflag:s11] =	ssyncadd.s32 $0xFFFFF800;
	p0 =	sne.s32 s14, s9  }
.Ltmp1:
0x27: {  	[bflag:$0x0] =	sbarrier.arrive $0xFFFF;
	(pc) =	sbr.rel @p0 .LBB2_1-.Ltmp1, $4  }
0x28: {  	[hbm:s8], [sflag:s6] =	dma.local [spmem:s10], $0x500  }
0x29: {  	_ =	swait.ge [sflag:s11], $0x500  }
0x2a: {  	[sflag:s11] =	ssyncset.done $0x0  }
0x2b: {  	[sflag:s11] =	ssyncadd.s32 $0xFFFFFB00  }
0x2c: {  	_ =	sfence.sel $0x180000  }
0x2d: {  	[bflag:$0x0] =	sbarrier.arrive $0xFFFF  }
0x2e: {  	p0 =	sne.s32 s0, $0x0;
	_ =	strace $0x90000047  }
0x2f: {  	s0 =	sadd.s32 @!p0 $0x100000, s1;
	[bflag:$0x2] =	sbarrier.arrive $0xFFFF  }
0x30: {  	[sflag:s0] =	ssyncadd.tile.s32 @!p0 $0x1;
	_ =	shalt  }
.Lfunc_end2:
_tile_overlayer_lowered:
.L_overlay_start_2:
0x31: {  	(tag) =	ssettag $0x2  }
0x32: {  	s0 =	rddreg [dreg:$0x0];
	s2 =	stileid.u32  }
0x33: {  	s1 =	rddreg [dreg:$0x1];
	p0 =	sne.s32 s2, $0x0  }
0x34: {  	s3 =	rddreg [dreg:$0x2];
	[bflag:$0x3] =	sbarrier.arrive $0xFFFF;
	s2 =	simm.s32 @!p0 $0x1C01  }
0x35: {  	[timem:s3], [sflag:s2] =	dma.local @!p0 [hbm:s0], s1  }
0x36: {  	s0 =	simm.s32 @!p0 $0x1  }
0x37: {  	_ =	swait.ge @!p0 [sflag:s0], s1  }
0x38: {  	s1 =	ssub.s32 @!p0 $0x0, s1;
	[sflag:s0] =	ssyncset.done @!p0 $0x0  }
0x39: {  	[sflag:s0] =	ssyncadd.s32 @!p0 s1  }
0x3a: {  	[bflag:$0x3] =	sbarrier.arrive $0xFFFF  }
0x3b: {  	_ =	shalt  }

// kernel: kernel.13.cloned.1.call-start
scs
__scs_entry_jumppad:
0x0: {  	(pc) =	sbr.rel $0x88, $3  }
0x1: {  	(tag) =	ssettag $0x0;
	lr =	simm.s32 $0x1  }
0x2: {  	[smem:$0x3F87] =	sst lr;
	_ =	strace $0xD0000000  }
0x3: {  	_ = 	snop  }
0x4: {  	_ = 	snop  }
0x5: {  	_ = 	snop  }
0x6: {  	_ = 	snop  }
0x7: {  	_ = 	snop  }
__scs_overlays_trampoline_lowered:
0x8: {  	[smem:$0x3F96] =	sst s0  }
0x9: {  	[smem:$0x3F97] =	sst s1  }
0xa: {  	[smem:$0x3F98] =	sst s2  }
0xb: {  	[smem:$0x3F99] =	sst s3  }
0xc: {  	[smem:$0x3F9A] =	sst s4  }
0xd: {  	[smem:$0x3F9B] =	sst s5  }
0xe: {  	[smem:$0x3F9C] =	sst s6  }
0xf: {  	[smem:$0x3F9D] =	sst s7  }
0x10: {  	[smem:$0x3F9E] =	sst s8  }
0x11: {  	[smem:$0x3F9F] =	sst s9;
	s0 =	simm.s32 @!p0 $0x0  }
0x12: {  	s1 =	sld [smem:$0x3F85];
	s0 =	simm.s32 @p0 $0x1  }
0x13: {  	[smem:$0x3FA0] =	sst s0;
	s0 =	simm.s32 @!p1 $0x0  }
0x14: {  	s2 =	sld [smem:$0x3F84];
	s0 =	simm.s32 @p1 $0x1  }
0x15: {  	[smem:$0x3FA1] =	sst s0;
	s0 =	simm.s32 @!p2 $0x0  }
0x16: {  	s3 =	sld [smem:$0x3FDB];
	s0 =	simm.s32 @p2 $0x1  }
0x17: {  	s4 =	simm.s32 $0x1BF5;
	[smem:$0x3FA3] =	sst s0  }
0x18: {  	s0 =	sld [smem:$0x3F86];
	_ =	swait.ge [sflag:s4], $0x0  }
0x19: {  	s7 =	sld [smem:$0x3F87]  }
0x1a: {  	s8 =	sadd.s32 $0xFFFFE003, lr  }
0x1b: {  	s9 =	sadd.s32 $0xFFFFFEF7, lr;
	s5 =	simm.s32 $0xFFFFFFFF;
	p2 =	slt.u32 s8, $0xFFFFF086  }
0x1c: {  	p1 =	slt.u32 s9, $0xF7A;
	s5 =	simm.s32 @!p2 $0x0  }
0x1d: {  	s5 =	simm.s32 @p1 $0x1;
	p0 =	seq.s32 s7, s2  }
0x1e: {  	s7 =	smul.u32 @!p0 $0xF7A, s2;
	p2 =	seq.s32 @!p0 s5, $0x0  }
0x1f: {  	s9 =	smul.u32 $0xF7A, s1;
	s8 =	simm.s32 @!p0 $0x1BF5;
	p2 =	por !p2, p0  }
0x20: {  	[sflag:s8] =	ssyncset.s32 @!p0 $0xFFFFF086;
	s6 =	sadd.s32 @!p0 s3, s7;
	s7 =	simm.s32 @!p0 $0x108  }
0x21: {  	s3 =	sadd.s32 s3, s9;
	s6 =	sadd.s32 @!p0 $0x88, s6;
	s7 =	simm.s32 @p2 $0x1082  }
0x22: {  	[simem:s7], [sflag:s8] =	dma.local @!p0 [hbm:s6], $0xF7A  }
0x23: {  	s9 =	sor.u32 $0xD0000000, s2;
	s6 =	simm.s32 $0x108;
	_ =	swait.ge @!p0 [sflag:s8], $0x0  }
0x24: {  	s3 =	sadd.s32 $0x88, s3;
	s6 =	simm.s32 @!p1 $0x1082;
	[sflag:s4] =	ssyncset.s32 $0xFFFFF086  }
0x25: {  	[simem:s6], [sflag:s4] =	dma.local [hbm:s3], $0xF7A  }
0x26: {  	[smem:$0x3F87] =	sst s1;
	(tag) =	ssettag s2;
	_ =	strace s9  }
0x27: {  	s1 =	sld [smem:$0x3F97]  }
0x28: {  	s2 =	sld [smem:$0x3F98]  }
0x29: {  	s4 =	sld [smem:$0x3F9A]  }
0x2a: {  	p0 =	seq.s32 s5, $0x0;
	s5 =	sld [smem:$0x3F9B]  }
0x2b: {  	s6 =	sld [smem:$0x3F9C]  }
0x2c: {  	s7 =	sld [smem:$0x3F9D]  }
0x2d: {  	s3 =	simm.s32 $0x108;
	s8 =	sld [smem:$0x3F9E]  }
0x2e: {  	s3 =	simm.s32 @!p0 $0x1082;
	s9 =	sld [smem:$0x3F9F]  }
0x2f: {  	lr =	sadd.s32 s0, s3;
	s0 =	sld [smem:$0x3F96]  }
0x30: {  	s3 =	sld [smem:$0x3F99]  }
0x31: {  	[smem:$0x3FA2] =	sst s10  }
0x32: {  	s10 =	sld [smem:$0x3FA0];
	_ =	sdelay $0x3  }
0x33: {  	p0 =	seq.s32 s10, $0x1;
	s10 =	sld [smem:$0x3FA2];
	_ =	sdelay $0x3  }
0x34: {  	[smem:$0x3FA2] =	sst s10  }
0x35: {  	s10 =	sld [smem:$0x3FA1];
	_ =	sdelay $0x3  }
0x36: {  	p1 =	seq.s32 s10, $0x1;
	s10 =	sld [smem:$0x3FA2];
	_ =	sdelay $0x3  }
0x37: {  	[smem:$0x3FA2] =	sst s10  }
0x38: {  	s10 =	sld [smem:$0x3FA3]  }
0x39: {  	_ = 	snop;
	(pc) =	sbr.ind lr, $3  }
0x3a: {  	_ = 	snop  }
0x3b: {  	_ = 	snop  }
0x3c: {  	p2 =	seq.s32 s10, $0x1;
	s10 =	sld [smem:$0x3FA2]  }
0x3d: {  	_ =	shalt  }
0x3e: {  	_ =	shalt  }
0x3f: {  	_ =	shalt  }
0x40: {  	_ =	shalt  }
0x41: {  	_ =	shalt  }
0x42: {  	_ =	shalt  }
0x43: {  	_ =	shalt  }
0x44: {  	_ =	shalt  }
0x45: {  	_ =	shalt  }
0x46: {  	_ =	shalt  }
0x47: {  	_ =	shalt  }
0x48: {  	_ =	shalt  }
0x49: {  	_ =	shalt  }
0x4a: {  	_ =	shalt  }
0x4b: {  	_ =	shalt  }
0x4c: {  	_ =	shalt  }
0x4d: {  	_ =	shalt  }
0x4e: {  	_ =	shalt  }
0x4f: {  	_ =	shalt  }
0x50: {  	_ =	shalt  }
0x51: {  	_ =	shalt  }
0x52: {  	_ =	shalt  }
0x53: {  	_ =	shalt  }
0x54: {  	_ =	shalt  }
0x55: {  	_ =	shalt  }
0x56: {  	_ =	shalt  }
0x57: {  	_ =	shalt  }
0x58: {  	_ =	shalt  }
0x59: {  	_ =	shalt  }
0x5a: {  	_ =	shalt  }
0x5b: {  	_ =	shalt  }
0x5c: {  	_ =	shalt  }
0x5d: {  	_ =	shalt  }
0x5e: {  	_ =	shalt  }
0x5f: {  	_ =	shalt  }
0x60: {  	_ =	shalt  }
0x61: {  	_ =	shalt  }
0x62: {  	_ =	shalt  }
0x63: {  	_ =	shalt  }
0x64: {  	_ =	shalt  }
0x65: {  	_ =	shalt  }
0x66: {  	_ =	shalt  }
0x67: {  	_ =	shalt  }
0x68: {  	_ =	shalt  }
0x69: {  	_ =	shalt  }
0x6a: {  	_ =	shalt  }
0x6b: {  	_ =	shalt  }
0x6c: {  	_ =	shalt  }
0x6d: {  	_ =	shalt  }
0x6e: {  	_ =	shalt  }
0x6f: {  	_ =	shalt  }
0x70: {  	_ =	shalt  }
0x71: {  	_ =	shalt  }
0x72: {  	_ =	shalt  }
0x73: {  	_ =	shalt  }
0x74: {  	_ =	shalt  }
0x75: {  	_ =	shalt  }
0x76: {  	_ =	shalt  }
0x77: {  	_ =	shalt  }
0x78: {  	_ =	shalt  }
0x79: {  	_ =	shalt  }
0x7a: {  	_ =	shalt  }
0x7b: {  	_ =	shalt  }
0x7c: {  	_ =	shalt  }
0x7d: {  	_ =	shalt  }
0x7e: {  	_ =	shalt  }
0x7f: {  	_ =	shalt  }
0x80: {  	_ =	shalt  }
0x81: {  	_ =	shalt  }
0x82: {  	_ =	shalt  }
0x83: {  	_ =	shalt  }
0x84: {  	_ =	shalt  }
0x85: {  	_ =	shalt  }
0x86: {  	_ =	shalt  }
0x87: {  	_ =	shalt  }
.Lfunc_end0:
.L_simem_size_0:
called_computation.1_lowered:
.L_overlay_start_0:
0x88: {  	s2 =	sld [smem:$0x3FD9]  }
0x89: {  	s3 =	sld [smem:$0x3FFE];
	_ =	sdelay $0x1  }
0x8a: {  	s1 =	srdreg.scid  }
0x8b: {  	s0 =	sand.u32 $0x1, s1  }
0x8c: {  	s16 =	sshll.u32 s0, $0xA;
	s2 =	sadd.s32 s3, s2  }
0x8d: {  	s2 =	sadd.s32 s2, s16  }
0x8e: {  	[smem:$0x3FAE] =	sst s2  }
0x8f: {  	_ = 	snop  }
0x90: {  	(tm) =	ssettm $0x1  }
0x91: {  	s17 =	sld [smem:$0x3FFB];
	_ =	sdelay $0x3  }
0x92: {  	_ =	strace s17  }
0x93: {  	s2 =	sld [smem:$0x3FFC];
	_ =	sdelay $0x3  }
0x94: {  	_ =	strace s2  }
0x95: {  	s2 =	sld [smem:$0x3FFD];
	_ =	sdelay $0x3  }
0x96: {  	_ =	strace s2  }
0x97: {  	_ =	strace $0x8FFFFFFF  }
0x98: {  	s18 =	sld [smem:$0x3FDB];
	_ =	sdelay $0x1  }
0x99: {  	s19 =	simm.s32 $_scs_section_size  }
0x9a: {  	s4 =	simm.s32 $_size__tile_overlayer_lowered;
	s5 =	simm.s32 $_tile_overlayer_lowered  }
0x9b: {  	s22 =	simm.s32 $0x1BFF;
	s21 =	sshll.u32 s5, $0x1;
	s2 =	sadd.s32 s19, s18  }
0x9c: {  	s6 =	simm.s32 $0x0;
	s20 =	sshll.u32 s4, $0x1;
	s4 =	sadd.s32 s21, s2  }
0x9d: {  	[timem:s6], [sflag:s22] =	dma.local [hbm:s4], s20  }
0x9e: {  	_ =	swait.ge [sflag:s22], s20  }
0x9f: {  	s3 =	ssub.s32 $0x0, s20;
	[sflag:s22] =	ssyncset.done $0x0  }
0xa0: {  	[sflag:s22] =	ssyncadd.s32 s3;
	_ =	sdelay $0x1  }
0xa1: {  	s23 =	simm.s32 $0x1B8B  }
0xa2: {  	_ =	swait.ge [sflag:s23], $0x1  }
0xa3: {  	[sflag:s23] =	ssyncset.done $0x0  }
0xa4: {  	s25 =	simm.s32 $0x1B8E;
	s24 =	sld [smem:$0x3FFE];
	[sflag:s23] =	ssyncadd.s32 $0xFFFFFFFF  }
0xa5: {  	s26 =	simm.s32 $execute0_lowered;
	[smem:$0x3FD2] =	sst s25  }
0xa6: {  	s4 =	sshll.u32 s26, $0x1;
	_ =	strace $0x80000049;
	[dreg:$0x1] =	wrdreg $0xFFFFFFFF  }
0xa7: {  	s28 =	simm.s32 $_size_execute0_lowered;
	s2 =	sadd.s32 s2, s4;
	[dreg:$0x0] =	wrdreg $0x0  }
0xa8: {  	s4 =	sshll.u32 s28, $0x1;
	[dreg:$0x2] =	wrdreg s2  }
0xa9: {  	[dreg:$0x3] =	wrdreg s4  }
0xaa: {  	[dreg:$0x4] =	wrdreg $0xC0  }
0xab: {  	_ =	task [dreg:s6], $0x5FFFF  }
0xac: {  	[dreg:$0x1] =	wrdreg $0xFFFFFFFF  }
0xad: {  	[dreg:$0x0] =	wrdreg $0x60  }
0xae: {  	[dreg:$0x2] =	wrdreg s24  }
0xaf: {  	[dreg:$0x3] =	wrdreg $0xA8000  }
0xb0: {  	[dreg:$0x4] =	wrdreg $0x9  }
0xb1: {  	_ =	task.clear_ibuf [dreg:s6], $0x5FFFF;
	_ =	strace $0x90000049  }
0xb2: {  	s29 =	simm.s32 $0x9;
	_ =	strace $0x8000004B  }
0xb3: {  	_ =	swait.ge [sflag:s29], $0x1  }
0xb4: {  	[sflag:s29] =	ssyncadd.s32 $0xFFFFFFFF  }
0xb5: {  	_ =	strace $0x9000004B  }
0xb6: {  	_ =	sfence  }
0xb7: {  	s30 =	sld [smem:$0x0];
	_ =	sdelay $0x2  }
0xb8: {  	s31 =	sshll.u32 s1, $0xD;
	s1 =	sshrl.u32 s1, $0x2  }
0xb9: {  	s3 =	sand.u32 $0x4000, s31;
	s1 =	sadd.s32 s1, s30  }
0xba: {  	s0 =	sor.u32 s3, s0;
	s1 =	sshll.u32 s1, $0x11  }
0xbb: {  	s0 =	sor.u32 s1, s0  }
0xbc: {  	s0 =	sadd.s32 $0x8F2B, s0  }
0xbd: {  	[sflag:s0] =	ssyncadd.remote.s32 $0x1  }
0xbe: {  	_ =	sfence.sel $0xFFFF  }
0xbf: {  	[dreg:$0x0] =	wrdreg $0xFFFFFFFF;
	(pc) =	sbr.abs _section_cstart, $3  }
0xc0: {  	[dreg:$0x1] =	wrdreg $0xFFFFFFFF  }
0xc1: {  	_ =	task.clear_ibuf [dreg:s6], $0x2FFFF;
	_ =	strace $0x9FFFFFFF  }
0xc2: {  	(tm) =	ssettm $0x7FFFFFFF  }
0xc3: {  	_ =	shalt  }
tec
execute0_lowered:
.L_overlay_start_1:
0x0: {  	(tag) =	ssettag $0x1  }
0x1: {  	s1 =	srdreg.scid;
	s6 =	rddreg [dreg:$0x0]  }
0x2: {  	s0 =	stileid.u32;
	s2 =	rddreg [dreg:$0x1]  }
0x3: {  	s3 =	simm.s32 $0x0;
	s14 =	simm.s32 $0x80;
	s15 =	simm.s32 $0x2800  }
0x4: {  	s16 =	simm.s32 $0x1;
	s17 =	simm.s32 $0x6800;
	s18 =	simm.s32 $0x2  }
0x5: {  	s19 =	simm.s32 $0x1380;
	s20 =	simm.s32 $0x2700;
	s21 =	simm.s32 $0x2780  }
0x6: {  	s22 =	simm.s32 $0x0;
	s5 =	sand.u32 $0x1, s1;
	s8 =	smul.u32 $0x14000, s0  }
0x7: {  	s25 =	sshll.u32 s0, $0x1;
	[smem:$0x7FF] =	sst s3;
	s28 =	smul.u32 $0x50000, s0  }
0x8: {  	s4 =	sadd.s32 $0x6D400, s6;
	s1 =	sor.u32 s5, s25;
	s9 =	smul.u32 $0x140000, s5  }
0x9: {  	s31 =	sshll.u32 s0, $0x6;
	s5 =	ssub.s32 $0x2, s5;
	s7 =	smul.u32 $0x280, s1  }
0xa: {  	s1 =	rddreg [dreg:$0x2];
	_ =	strace $0x8000004A;
	s26 =	sshrl.u32 s8, $0x3  }
0xb: {  	s29 =	sshrl.u32 s5, $0x1;
	s30 =	sshrl.u32 s28, $0x2;
	s8 =	sadd.s32 s8, s9  }
0xc: {  	s12 =	ssub.s32 s5, s29;
	s13 =	sadd.s32 s30, s2;
	s8 =	sshrl.u32 s8, $0x3  }
0xd: {  	s10 =	sadd.s32 s7, s6;
	s7 =	sadd.s32 s26, s6;
	s11 =	sadd.s32 s8, s6  }
0xe: {  	s5 =	sadd.s32 $0x95400, s7;
	s6 =	sor.u32 $0x1C03, s31;
	s7 =	sadd.s32 $0x4400, s10  }
0xf: {  	s8 =	sadd.s32 $0x18400, s10;
	s10 =	smax.u32 s12, $0x1;
	s12 =	simm.s32 $0x3  }
0x10: {  	s9 =	sadd.s32 $0xBD400, s11;
	s11 =	sshrl.u32 s13, $0x3;
	s13 =	simm.s32 $0x1400  }
.LBB2_1:
0x11: {  	[spmem:s11], [sflag:s6] =	dma.local [hbm:s5], $0x2800  }
0x12: {  	_ =	swait.ge [sflag:s12], $0x2800  }
0x13: {  	[sflag:s12] =	ssyncset.done $0x0  }
0x14: {  	[sflag:s12] =	ssyncadd.s32 $0xFFFFD800  }
0x15: {  	[tilespmem:s3], [sflag:$0x3] =	stream.linear.gather [hbm4b:s7+s3], $0x1400, $0x38;
	[tilespmem:$0x1E800] =	vst v63  }
0x16: {  	_ =	swait.ge [sflag:s12], $0x1400  }
0x17: {  	[sflag:s12] =	ssyncset.done $0x0  }
0x18: {  	[sflag:s12] =	ssyncadd.s32 $0xFFFFEC00  }
0x19: {  	[tilespmem:s13], [sflag:$0x3] =	stream.linear.gather [hbm4b:s8+s3], $0x1400, $0x38;
	[tilespmem:$0x1E800] =	vst v63  }
0x1a: {  	_ =	swait.ge [sflag:s12], $0x1400  }
0x1b: {  	[sflag:s12] =	ssyncset.done $0x0  }
0x1c: {  	[sflag:s12] =	ssyncadd.s32 $0xFFFFEC00  }
0x1d: {  	[bflag:$0x0] =	sbarrier.arrive $0xFFFF  }
0x1e: {  	[tilespmem:s15], [sflag:$0x1] =	stream.indirect.gather [hbm4b:s4+s14], $0x80, s3, s14, $0xb8;
	[tilespmem:$0x1E800] =	vst v63  }
0x1f: {  	_ =	swait.ge [sflag:s16], $0x4000  }
0x20: {  	[sflag:s16] =	ssyncset.done $0x0  }
0x21: {  	s23 =	simm.s32 $0x80;
	[sflag:s16] =	ssyncadd.s32 $0xFFFFC000  }
0x22: {  	[tilespmem:s17], [sflag:$0x2] =	stream.indirect.gather [hbm4b:s4+s14], $0x80, s23, s14, $0xb8;
	[tilespmem:$0x1E800] =	vst v63  }
0x23: {  	s29 =	simm.s32 $0x1400  }
0x24: {  	[spmem:s2] =	stream.indirect.scatter.add.f32 [tilespmem:s15], [sflag:$0x3], $0x80, s29, s14, $0xb8;
	[tilespmem:$0x1E800] =	vst v63  }
0x25: {  	_ =	swait.ge [sflag:s12], $0x4000  }
0x26: {  	[sflag:s12] =	ssyncset.done $0x0  }
0x27: {  	[sflag:s12] =	ssyncadd.s32 $0xFFFFC000  }
0x28: {  	_ =	swait.ge [sflag:s18], $0x4000  }
0x29: {  	[sflag:s18] =	ssyncset.done $0x0  }
0x2a: {  	s30 =	simm.s32 $0x100;
	[sflag:s18] =	ssyncadd.s32 $0xFFFFC000  }
0x2b: {  	[tilespmem:s15], [sflag:$0x1] =	stream.indirect.gather [hbm4b:s4+s14], $0x80, s30, s14, $0xb8;
	[tilespmem:$0x1E800] =	vst v63  }
0x2c: {  	s31 =	simm.s32 $0x1480  }
0x2d: {  	[spmem:s2] =	stream.indirect.scatter.add.f32 [tilespmem:s17], [sflag:$0x3], $0x80, s31, s14, $0xb8;
	[tilespmem:$0x1E800] =	vst v63  }
0x2e: {  	_ =	swait.ge [sflag:s12], $0x4000  }
0x2f: {  	s23 =	simm.s32 $0x400;
	[sflag:s12] =	ssyncset.done $0x0  }
.LBB2_2:
0x30: {  	p0 =	sne.s32 s23, $0x4800  }
0x31: {  	[sflag:s12] =	ssyncadd.s32 $0xFFFFC000;
	s24 =	smov.u32 s23;
	s23 =	sadd.s32 $0x400, s23  }
0x32: {  	_ = 	snop  }
0x33: {  	_ =	swait.ge [sflag:s16], $0x4000  }
0x34: {  	s24 =	sshra.s32 s24, $0x2;
	[sflag:s16] =	ssyncset.done $0x0  }
0x35: {  	s25 =	sadd.s32 $0x80, s24;
	[sflag:s16] =	ssyncadd.s32 $0xFFFFC000  }
0x36: {  	[tilespmem:s17], [sflag:$0x2] =	stream.indirect.gather [hbm4b:s4+s14], $0x80, s25, s14, $0xb8;
	[tilespmem:$0x1E800] =	vst v63  }
0x37: {  	s25 =	sadd.s32 $0x1400, s24  }
0x38: {  	[spmem:s2] =	stream.indirect.scatter.add.f32 [tilespmem:s15], [sflag:$0x3], $0x80, s25, s14, $0xb8;
	[tilespmem:$0x1E800] =	vst v63  }
0x39: {  	_ =	swait.ge [sflag:s12], $0x4000  }
0x3a: {  	[sflag:s12] =	ssyncset.done $0x0  }
0x3b: {  	[sflag:s12] =	ssyncadd.s32 $0xFFFFC000  }
0x3c: {  	_ =	swait.ge [sflag:s18], $0x4000  }
0x3d: {  	[sflag:s18] =	ssyncset.done $0x0  }
0x3e: {  	s25 =	sadd.s32 $0x100, s24;
	[sflag:s18] =	ssyncadd.s32 $0xFFFFC000  }
0x3f: {  	[tilespmem:s15], [sflag:$0x1] =	stream.indirect.gather [hbm4b:s4+s14], $0x80, s25, s14, $0xb8;
	[tilespmem:$0x1E800] =	vst v63  }
.Ltmp0:
0x40: {  	_ = 	snop;
	(pc) =	sbr.rel @p0 .LBB2_2-.Ltmp0, $4  }
0x41: {  	s24 =	sadd.s32 $0x1480, s24  }
0x42: {  	[spmem:s2] =	stream.indirect.scatter.add.f32 [tilespmem:s17], [sflag:$0x3], $0x80, s24, s14, $0xb8;
	[tilespmem:$0x1E800] =	vst v63  }
0x43: {  	_ =	swait.ge [sflag:s12], $0x4000  }
0x44: {  	[sflag:s12] =	ssyncset.done $0x0  }
0x45: {  	[sflag:s12] =	ssyncadd.s32 $0xFFFFC000  }
0x46: {  	_ =	swait.ge [sflag:s16], $0x4000  }
0x47: {  	[sflag:s16] =	ssyncset.done $0x0  }
0x48: {  	[sflag:s16] =	ssyncadd.s32 $0xFFFFC000  }
0x49: {  	[tilespmem:s17], [sflag:$0x2] =	stream.indirect.gather [hbm4b:s4+s14], $0x80, s19, s14, $0xb8;
	[tilespmem:$0x1E800] =	vst v63  }
0x4a: {  	_ = 	snop  }
0x4b: {  	[spmem:s2] =	stream.indirect.scatter.add.f32 [tilespmem:s15], [sflag:$0x3], $0x80, s20, s14, $0xb8;
	[tilespmem:$0x1E800] =	vst v63  }
0x4c: {  	_ =	swait.ge [sflag:s12], $0x4000  }
0x4d: {  	[sflag:s12] =	ssyncset.done $0x0  }
0x4e: {  	[sflag:s12] =	ssyncadd.s32 $0xFFFFC000  }
0x4f: {  	_ =	swait.ge [sflag:s18], $0x4000  }
0x50: {  	[sflag:s18] =	ssyncset.done $0x0  }
0x51: {  	[sflag:s18] =	ssyncadd.s32 $0xFFFFC000  }
0x52: {  	[spmem:s2] =	stream.indirect.scatter.add.f32 [tilespmem:s17], [sflag:$0x3], $0x80, s21, s14, $0xb8;
	[tilespmem:$0x1E800] =	vst v63  }
0x53: {  	_ =	swait.ge [sflag:s12], $0x4000  }
0x54: {  	s22 =	sadd.s32 $0x1, s22;
	[sflag:s12] =	ssyncset.done $0x0  }
0x55: {  	p0 =	sne.s32 s22, s10;
	[sflag:s12] =	ssyncadd.s32 $0xFFFFC000  }
.Ltmp1:
0x56: {  	[bflag:$0x0] =	sbarrier.arrive $0xFFFF;
	(pc) =	sbr.rel @p0 .LBB2_1-.Ltmp1, $4  }
0x57: {  	[hbm:s9], [sflag:s6] =	dma.local [spmem:s11], $0x2800  }
0x58: {  	_ =	swait.ge [sflag:s12], $0x2800  }
0x59: {  	[sflag:s12] =	ssyncset.done $0x0  }
0x5a: {  	[sflag:s12] =	ssyncadd.s32 $0xFFFFD800  }
0x5b: {  	_ =	sfence.sel $0x180000  }
0x5c: {  	[bflag:$0x0] =	sbarrier.arrive $0xFFFF  }
0x5d: {  	p0 =	sne.s32 s0, $0x0;
	_ =	strace $0x9000004A  }
0x5e: {  	s0 =	sadd.s32 @!p0 $0x100000, s1;
	[bflag:$0x2] =	sbarrier.arrive $0xFFFF  }
0x5f: {  	[sflag:s0] =	ssyncadd.tile.s32 @!p0 $0x1;
	_ =	shalt  }
.Lfunc_end2:
_tile_overlayer_lowered:
.L_overlay_start_2:
0x60: {  	(tag) =	ssettag $0x2  }
0x61: {  	s0 =	rddreg [dreg:$0x0];
	s2 =	stileid.u32  }
0x62: {  	s1 =	rddreg [dreg:$0x1];
	p0 =	sne.s32 s2, $0x0  }
0x63: {  	s3 =	rddreg [dreg:$0x2];
	[bflag:$0x3] =	sbarrier.arrive $0xFFFF;
	s2 =	simm.s32 @!p0 $0x1C03  }
0x64: {  	[timem:s3], [sflag:s2] =	dma.local @!p0 [hbm:s0], s1  }
0x65: {  	s0 =	simm.s32 @!p0 $0x3  }
0x66: {  	_ =	swait.ge @!p0 [sflag:s0], s1  }
0x67: {  	s1 =	ssub.s32 @!p0 $0x0, s1;
	[sflag:s0] =	ssyncset.done @!p0 $0x0  }
0x68: {  	[sflag:s0] =	ssyncadd.s32 @!p0 s1  }
0x69: {  	[bflag:$0x3] =	sbarrier.arrive $0xFFFF  }
0x6a: {  	_ =	shalt  }

// kernel: kernel.16.cloned.1.call-start
scs
__scs_entry_jumppad:
0x0: {  	(pc) =	sbr.rel $0x88, $3  }
0x1: {  	(tag) =	ssettag $0x0;
	lr =	simm.s32 $0x1  }
0x2: {  	[smem:$0x3F87] =	sst lr;
	_ =	strace $0xD0000000  }
0x3: {  	_ = 	snop  }
0x4: {  	_ = 	snop  }
0x5: {  	_ = 	snop  }
0x6: {  	_ = 	snop  }
0x7: {  	_ = 	snop  }
__scs_overlays_trampoline_lowered:
0x8: {  	[smem:$0x3F96] =	sst s0  }
0x9: {  	[smem:$0x3F97] =	sst s1  }
0xa: {  	[smem:$0x3F98] =	sst s2  }
0xb: {  	[smem:$0x3F99] =	sst s3  }
0xc: {  	[smem:$0x3F9A] =	sst s4  }
0xd: {  	[smem:$0x3F9B] =	sst s5  }
0xe: {  	[smem:$0x3F9C] =	sst s6  }
0xf: {  	[smem:$0x3F9D] =	sst s7  }
0x10: {  	[smem:$0x3F9E] =	sst s8  }
0x11: {  	[smem:$0x3F9F] =	sst s9;
	s0 =	simm.s32 @!p0 $0x0  }
0x12: {  	s1 =	sld [smem:$0x3F85];
	s0 =	simm.s32 @p0 $0x1  }
0x13: {  	[smem:$0x3FA0] =	sst s0;
	s0 =	simm.s32 @!p1 $0x0  }
0x14: {  	s2 =	sld [smem:$0x3F84];
	s0 =	simm.s32 @p1 $0x1  }
0x15: {  	[smem:$0x3FA1] =	sst s0;
	s0 =	simm.s32 @!p2 $0x0  }
0x16: {  	s3 =	sld [smem:$0x3FDB];
	s0 =	simm.s32 @p2 $0x1  }
0x17: {  	s4 =	simm.s32 $0x1BF5;
	[smem:$0x3FA3] =	sst s0  }
0x18: {  	s0 =	sld [smem:$0x3F86];
	_ =	swait.ge [sflag:s4], $0x0  }
0x19: {  	s7 =	sld [smem:$0x3F87]  }
0x1a: {  	s8 =	sadd.s32 $0xFFFFE003, lr  }
0x1b: {  	s9 =	sadd.s32 $0xFFFFFEF7, lr;
	s5 =	simm.s32 $0xFFFFFFFF;
	p2 =	slt.u32 s8, $0xFFFFF086  }
0x1c: {  	p1 =	slt.u32 s9, $0xF7A;
	s5 =	simm.s32 @!p2 $0x0  }
0x1d: {  	s5 =	simm.s32 @p1 $0x1;
	p0 =	seq.s32 s7, s2  }
0x1e: {  	s7 =	smul.u32 @!p0 $0xF7A, s2;
	p2 =	seq.s32 @!p0 s5, $0x0  }
0x1f: {  	s9 =	smul.u32 $0xF7A, s1;
	s8 =	simm.s32 @!p0 $0x1BF5;
	p2 =	por !p2, p0  }
0x20: {  	[sflag:s8] =	ssyncset.s32 @!p0 $0xFFFFF086;
	s6 =	sadd.s32 @!p0 s3, s7;
	s7 =	simm.s32 @!p0 $0x108  }
0x21: {  	s3 =	sadd.s32 s3, s9;
	s6 =	sadd.s32 @!p0 $0x88, s6;
	s7 =	simm.s32 @p2 $0x1082  }
0x22: {  	[simem:s7], [sflag:s8] =	dma.local @!p0 [hbm:s6], $0xF7A  }
0x23: {  	s9 =	sor.u32 $0xD0000000, s2;
	s6 =	simm.s32 $0x108;
	_ =	swait.ge @!p0 [sflag:s8], $0x0  }
0x24: {  	s3 =	sadd.s32 $0x88, s3;
	s6 =	simm.s32 @!p1 $0x1082;
	[sflag:s4] =	ssyncset.s32 $0xFFFFF086  }
0x25: {  	[simem:s6], [sflag:s4] =	dma.local [hbm:s3], $0xF7A  }
0x26: {  	[smem:$0x3F87] =	sst s1;
	(tag) =	ssettag s2;
	_ =	strace s9  }
0x27: {  	s1 =	sld [smem:$0x3F97]  }
0x28: {  	s2 =	sld [smem:$0x3F98]  }
0x29: {  	s4 =	sld [smem:$0x3F9A]  }
0x2a: {  	p0 =	seq.s32 s5, $0x0;
	s5 =	sld [smem:$0x3F9B]  }
0x2b: {  	s6 =	sld [smem:$0x3F9C]  }
0x2c: {  	s7 =	sld [smem:$0x3F9D]  }
0x2d: {  	s3 =	simm.s32 $0x108;
	s8 =	sld [smem:$0x3F9E]  }
0x2e: {  	s3 =	simm.s32 @!p0 $0x1082;
	s9 =	sld [smem:$0x3F9F]  }
0x2f: {  	lr =	sadd.s32 s0, s3;
	s0 =	sld [smem:$0x3F96]  }
0x30: {  	s3 =	sld [smem:$0x3F99]  }
0x31: {  	[smem:$0x3FA2] =	sst s10  }
0x32: {  	s10 =	sld [smem:$0x3FA0];
	_ =	sdelay $0x3  }
0x33: {  	p0 =	seq.s32 s10, $0x1;
	s10 =	sld [smem:$0x3FA2];
	_ =	sdelay $0x3  }
0x34: {  	[smem:$0x3FA2] =	sst s10  }
0x35: {  	s10 =	sld [smem:$0x3FA1];
	_ =	sdelay $0x3  }
0x36: {  	p1 =	seq.s32 s10, $0x1;
	s10 =	sld [smem:$0x3FA2];
	_ =	sdelay $0x3  }
0x37: {  	[smem:$0x3FA2] =	sst s10  }
0x38: {  	s10 =	sld [smem:$0x3FA3]  }
0x39: {  	_ = 	snop;
	(pc) =	sbr.ind lr, $3  }
0x3a: {  	_ = 	snop  }
0x3b: {  	_ = 	snop  }
0x3c: {  	p2 =	seq.s32 s10, $0x1;
	s10 =	sld [smem:$0x3FA2]  }
0x3d: {  	_ =	shalt  }
0x3e: {  	_ =	shalt  }
0x3f: {  	_ =	shalt  }
0x40: {  	_ =	shalt  }
0x41: {  	_ =	shalt  }
0x42: {  	_ =	shalt  }
0x43: {  	_ =	shalt  }
0x44: {  	_ =	shalt  }
0x45: {  	_ =	shalt  }
0x46: {  	_ =	shalt  }
0x47: {  	_ =	shalt  }
0x48: {  	_ =	shalt  }
0x49: {  	_ =	shalt  }
0x4a: {  	_ =	shalt  }
0x4b: {  	_ =	shalt  }
0x4c: {  	_ =	shalt  }
0x4d: {  	_ =	shalt  }
0x4e: {  	_ =	shalt  }
0x4f: {  	_ =	shalt  }
0x50: {  	_ =	shalt  }
0x51: {  	_ =	shalt  }
0x52: {  	_ =	shalt  }
0x53: {  	_ =	shalt  }
0x54: {  	_ =	shalt  }
0x55: {  	_ =	shalt  }
0x56: {  	_ =	shalt  }
0x57: {  	_ =	shalt  }
0x58: {  	_ =	shalt  }
0x59: {  	_ =	shalt  }
0x5a: {  	_ =	shalt  }
0x5b: {  	_ =	shalt  }
0x5c: {  	_ =	shalt  }
0x5d: {  	_ =	shalt  }
0x5e: {  	_ =	shalt  }
0x5f: {  	_ =	shalt  }
0x60: {  	_ =	shalt  }
0x61: {  	_ =	shalt  }
0x62: {  	_ =	shalt  }
0x63: {  	_ =	shalt  }
0x64: {  	_ =	shalt  }
0x65: {  	_ =	shalt  }
0x66: {  	_ =	shalt  }
0x67: {  	_ =	shalt  }
0x68: {  	_ =	shalt  }
0x69: {  	_ =	shalt  }
0x6a: {  	_ =	shalt  }
0x6b: {  	_ =	shalt  }
0x6c: {  	_ =	shalt  }
0x6d: {  	_ =	shalt  }
0x6e: {  	_ =	shalt  }
0x6f: {  	_ =	shalt  }
0x70: {  	_ =	shalt  }
0x71: {  	_ =	shalt  }
0x72: {  	_ =	shalt  }
0x73: {  	_ =	shalt  }
0x74: {  	_ =	shalt  }
0x75: {  	_ =	shalt  }
0x76: {  	_ =	shalt  }
0x77: {  	_ =	shalt  }
0x78: {  	_ =	shalt  }
0x79: {  	_ =	shalt  }
0x7a: {  	_ =	shalt  }
0x7b: {  	_ =	shalt  }
0x7c: {  	_ =	shalt  }
0x7d: {  	_ =	shalt  }
0x7e: {  	_ =	shalt  }
0x7f: {  	_ =	shalt  }
0x80: {  	_ =	shalt  }
0x81: {  	_ =	shalt  }
0x82: {  	_ =	shalt  }
0x83: {  	_ =	shalt  }
0x84: {  	_ =	shalt  }
0x85: {  	_ =	shalt  }
0x86: {  	_ =	shalt  }
0x87: {  	_ =	shalt  }
.Lfunc_end0:
.L_simem_size_0:
called_computation.2_lowered:
.L_overlay_start_0:
0x88: {  	s2 =	sld [smem:$0x3FD9]  }
0x89: {  	s3 =	sld [smem:$0x3FFE];
	_ =	sdelay $0x1  }
0x8a: {  	s1 =	srdreg.scid  }
0x8b: {  	s0 =	sand.u32 $0x1, s1  }
0x8c: {  	s16 =	sshll.u32 s0, $0xA;
	s2 =	sadd.s32 s3, s2  }
0x8d: {  	s2 =	sadd.s32 s2, s16  }
0x8e: {  	[smem:$0x3FAE] =	sst s2  }
0x8f: {  	_ = 	snop  }
0x90: {  	(tm) =	ssettm $0x1  }
0x91: {  	s17 =	sld [smem:$0x3FFB];
	_ =	sdelay $0x3  }
0x92: {  	_ =	strace s17  }
0x93: {  	s2 =	sld [smem:$0x3FFC];
	_ =	sdelay $0x3  }
0x94: {  	_ =	strace s2  }
0x95: {  	s2 =	sld [smem:$0x3FFD];
	_ =	sdelay $0x3  }
0x96: {  	_ =	strace s2  }
0x97: {  	_ =	strace $0x8FFFFFFF  }
0x98: {  	s18 =	sld [smem:$0x3FDB];
	_ =	sdelay $0x1  }
0x99: {  	s19 =	simm.s32 $_scs_section_size  }
0x9a: {  	s4 =	simm.s32 $_size__tile_overlayer_lowered;
	s5 =	simm.s32 $_tile_overlayer_lowered  }
0x9b: {  	s22 =	simm.s32 $0x1BFF;
	s21 =	sshll.u32 s5, $0x1;
	s2 =	sadd.s32 s19, s18  }
0x9c: {  	s6 =	simm.s32 $0x0;
	s20 =	sshll.u32 s4, $0x1;
	s4 =	sadd.s32 s21, s2  }
0x9d: {  	[timem:s6], [sflag:s22] =	dma.local [hbm:s4], s20  }
0x9e: {  	_ =	swait.ge [sflag:s22], s20  }
0x9f: {  	s3 =	ssub.s32 $0x0, s20;
	[sflag:s22] =	ssyncset.done $0x0  }
0xa0: {  	[sflag:s22] =	ssyncadd.s32 s3;
	_ =	sdelay $0x1  }
0xa1: {  	s23 =	simm.s32 $0x1B8B  }
0xa2: {  	_ =	swait.ge [sflag:s23], $0x1  }
0xa3: {  	[sflag:s23] =	ssyncset.done $0x0  }
0xa4: {  	s25 =	simm.s32 $0x1B8E;
	s24 =	sld [smem:$0x3FFE];
	[sflag:s23] =	ssyncadd.s32 $0xFFFFFFFF  }
0xa5: {  	s26 =	simm.s32 $execute0_lowered;
	[smem:$0x3FD2] =	sst s25  }
0xa6: {  	s4 =	sshll.u32 s26, $0x1;
	_ =	strace $0x8000004C;
	[dreg:$0x1] =	wrdreg $0xFFFFFFFF  }
0xa7: {  	s28 =	simm.s32 $_size_execute0_lowered;
	s2 =	sadd.s32 s2, s4;
	[dreg:$0x0] =	wrdreg $0x0  }
0xa8: {  	s4 =	sshll.u32 s28, $0x1;
	[dreg:$0x2] =	wrdreg s2  }
0xa9: {  	[dreg:$0x3] =	wrdreg s4  }
0xaa: {  	[dreg:$0x4] =	wrdreg $0xC0  }
0xab: {  	_ =	task [dreg:s6], $0x5FFFF  }
0xac: {  	[dreg:$0x1] =	wrdreg $0xFFFFFFFF  }
0xad: {  	[dreg:$0x0] =	wrdreg $0x60  }
0xae: {  	[dreg:$0x2] =	wrdreg s24  }
0xaf: {  	[dreg:$0x3] =	wrdreg $0xA8000  }
0xb0: {  	[dreg:$0x4] =	wrdreg $0x9  }
0xb1: {  	_ =	task.clear_ibuf [dreg:s6], $0x5FFFF;
	_ =	strace $0x9000004C  }
0xb2: {  	s29 =	simm.s32 $0x9;
	_ =	strace $0x8000004E  }
0xb3: {  	_ =	swait.ge [sflag:s29], $0x1  }
0xb4: {  	[sflag:s29] =	ssyncadd.s32 $0xFFFFFFFF  }
0xb5: {  	_ =	strace $0x9000004E  }
0xb6: {  	_ =	sfence  }
0xb7: {  	s30 =	sld [smem:$0x0];
	_ =	sdelay $0x2  }
0xb8: {  	s31 =	sshll.u32 s1, $0xD;
	s1 =	sshrl.u32 s1, $0x2  }
0xb9: {  	s3 =	sand.u32 $0x4000, s31;
	s1 =	sadd.s32 s1, s30  }
0xba: {  	s0 =	sor.u32 s3, s0;
	s1 =	sshll.u32 s1, $0x11  }
0xbb: {  	s0 =	sor.u32 s1, s0  }
0xbc: {  	s0 =	sadd.s32 $0x8F2B, s0  }
0xbd: {  	[sflag:s0] =	ssyncadd.remote.s32 $0x1  }
0xbe: {  	_ =	sfence.sel $0xFFFF  }
0xbf: {  	[dreg:$0x0] =	wrdreg $0xFFFFFFFF;
	(pc) =	sbr.abs _section_cstart, $3  }
0xc0: {  	[dreg:$0x1] =	wrdreg $0xFFFFFFFF  }
0xc1: {  	_ =	task.clear_ibuf [dreg:s6], $0x2FFFF;
	_ =	strace $0x9FFFFFFF  }
0xc2: {  	(tm) =	ssettm $0x7FFFFFFF  }
0xc3: {  	_ =	shalt  }
tec
execute0_lowered:
.L_overlay_start_1:
0x0: {  	(tag) =	ssettag $0x1  }
0x1: {  	s1 =	srdreg.scid;
	s6 =	rddreg [dreg:$0x0]  }
0x2: {  	s0 =	stileid.u32;
	s2 =	rddreg [dreg:$0x1]  }
0x3: {  	s3 =	simm.s32 $0x0;
	s14 =	simm.s32 $0x80;
	s15 =	simm.s32 $0x2800  }
0x4: {  	s16 =	simm.s32 $0x1;
	s17 =	simm.s32 $0x6800;
	s18 =	simm.s32 $0x2  }
0x5: {  	s19 =	simm.s32 $0x1380;
	s20 =	simm.s32 $0x2700;
	s21 =	simm.s32 $0x2780  }
0x6: {  	s22 =	simm.s32 $0x0;
	s5 =	sand.u32 $0x1, s1;
	s8 =	smul.u32 $0x14000, s0  }
0x7: {  	s25 =	sshll.u32 s0, $0x1;
	[smem:$0x7FF] =	sst s3;
	s28 =	smul.u32 $0x50000, s0  }
0x8: {  	s4 =	sadd.s32 $0x6D400, s6;
	s1 =	sor.u32 s5, s25;
	s9 =	smul.u32 $0x140000, s5  }
0x9: {  	s31 =	sshll.u32 s0, $0x6;
	s5 =	ssub.s32 $0x2, s5;
	s7 =	smul.u32 $0x280, s1  }
0xa: {  	s1 =	rddreg [dreg:$0x2];
	_ =	strace $0x8000004D;
	s26 =	sshrl.u32 s8, $0x3  }
0xb: {  	s29 =	sshrl.u32 s5, $0x1;
	s30 =	sshrl.u32 s28, $0x2;
	s8 =	sadd.s32 s8, s9  }
0xc: {  	s12 =	ssub.s32 s5, s29;
	s13 =	sadd.s32 s30, s2;
	s8 =	sshrl.u32 s8, $0x3  }
0xd: {  	s10 =	sadd.s32 s7, s6;
	s7 =	sadd.s32 s26, s6;
	s11 =	sadd.s32 s8, s6  }
0xe: {  	s5 =	sadd.s32 $0x95400, s7;
	s6 =	sor.u32 $0x1C03, s31;
	s7 =	sadd.s32 $0x4400, s10  }
0xf: {  	s8 =	sadd.s32 $0x18400, s10;
	s10 =	smax.u32 s12, $0x1;
	s12 =	simm.s32 $0x3  }
0x10: {  	s9 =	sadd.s32 $0xBD400, s11;
	s11 =	sshrl.u32 s13, $0x3;
	s13 =	simm.s32 $0x1400  }
.LBB2_1:
0x11: {  	[spmem:s11], [sflag:s6] =	dma.local [hbm:s5], $0x2800  }
0x12: {  	_ =	swait.ge [sflag:s12], $0x2800  }
0x13: {  	[sflag:s12] =	ssyncset.done $0x0  }
0x14: {  	[sflag:s12] =	ssyncadd.s32 $0xFFFFD800  }
0x15: {  	[tilespmem:s3], [sflag:$0x3] =	stream.linear.gather [hbm4b:s7+s3], $0x1400, $0x38;
	[tilespmem:$0x1E800] =	vst v63  }
0x16: {  	_ =	swait.ge [sflag:s12], $0x1400  }
0x17: {  	[sflag:s12] =	ssyncset.done $0x0  }
0x18: {  	[sflag:s12] =	ssyncadd.s32 $0xFFFFEC00  }
0x19: {  	[tilespmem:s13], [sflag:$0x3] =	stream.linear.gather [hbm4b:s8+s3], $0x1400, $0x38;
	[tilespmem:$0x1E800] =	vst v63  }
0x1a: {  	_ =	swait.ge [sflag:s12], $0x1400  }
0x1b: {  	[sflag:s12] =	ssyncset.done $0x0  }
0x1c: {  	[sflag:s12] =	ssyncadd.s32 $0xFFFFEC00  }
0x1d: {  	[bflag:$0x0] =	sbarrier.arrive $0xFFFF  }
0x1e: {  	[tilespmem:s15], [sflag:$0x1] =	stream.indirect.gather [hbm4b:s4+s14], $0x80, s3, s14, $0xb8;
	[tilespmem:$0x1E800] =	vst v63  }
0x1f: {  	_ =	swait.ge [sflag:s16], $0x4000  }
0x20: {  	[sflag:s16] =	ssyncset.done $0x0  }
0x21: {  	s23 =	simm.s32 $0x80;
	[sflag:s16] =	ssyncadd.s32 $0xFFFFC000  }
0x22: {  	[tilespmem:s17], [sflag:$0x2] =	stream.indirect.gather [hbm4b:s4+s14], $0x80, s23, s14, $0xb8;
	[tilespmem:$0x1E800] =	vst v63  }
0x23: {  	s29 =	simm.s32 $0x1400  }
0x24: {  	[spmem:s2] =	stream.indirect.scatter.add.f32 [tilespmem:s15], [sflag:$0x3], $0x80, s29, s14, $0xb8;
	[tilespmem:$0x1E800] =	vst v63  }
0x25: {  	_ =	swait.ge [sflag:s12], $0x4000  }
0x26: {  	[sflag:s12] =	ssyncset.done $0x0  }
0x27: {  	[sflag:s12] =	ssyncadd.s32 $0xFFFFC000  }
0x28: {  	_ =	swait.ge [sflag:s18], $0x4000  }
0x29: {  	[sflag:s18] =	ssyncset.done $0x0  }
0x2a: {  	s30 =	simm.s32 $0x100;
	[sflag:s18] =	ssyncadd.s32 $0xFFFFC000  }
0x2b: {  	[tilespmem:s15], [sflag:$0x1] =	stream.indirect.gather [hbm4b:s4+s14], $0x80, s30, s14, $0xb8;
	[tilespmem:$0x1E800] =	vst v63  }
0x2c: {  	s31 =	simm.s32 $0x1480  }
0x2d: {  	[spmem:s2] =	stream.indirect.scatter.add.f32 [tilespmem:s17], [sflag:$0x3], $0x80, s31, s14, $0xb8;
	[tilespmem:$0x1E800] =	vst v63  }
0x2e: {  	_ =	swait.ge [sflag:s12], $0x4000  }
0x2f: {  	s23 =	simm.s32 $0x400;
	[sflag:s12] =	ssyncset.done $0x0  }
.LBB2_2:
0x30: {  	p0 =	sne.s32 s23, $0x4800  }
0x31: {  	[sflag:s12] =	ssyncadd.s32 $0xFFFFC000;
	s24 =	smov.u32 s23;
	s23 =	sadd.s32 $0x400, s23  }
0x32: {  	_ = 	snop  }
0x33: {  	_ =	swait.ge [sflag:s16], $0x4000  }
0x34: {  	s24 =	sshra.s32 s24, $0x2;
	[sflag:s16] =	ssyncset.done $0x0  }
0x35: {  	s25 =	sadd.s32 $0x80, s24;
	[sflag:s16] =	ssyncadd.s32 $0xFFFFC000  }
0x36: {  	[tilespmem:s17], [sflag:$0x2] =	stream.indirect.gather [hbm4b:s4+s14], $0x80, s25, s14, $0xb8;
	[tilespmem:$0x1E800] =	vst v63  }
0x37: {  	s25 =	sadd.s32 $0x1400, s24  }
0x38: {  	[spmem:s2] =	stream.indirect.scatter.add.f32 [tilespmem:s15], [sflag:$0x3], $0x80, s25, s14, $0xb8;
	[tilespmem:$0x1E800] =	vst v63  }
0x39: {  	_ =	swait.ge [sflag:s12], $0x4000  }
0x3a: {  	[sflag:s12] =	ssyncset.done $0x0  }
0x3b: {  	[sflag:s12] =	ssyncadd.s32 $0xFFFFC000  }
0x3c: {  	_ =	swait.ge [sflag:s18], $0x4000  }
0x3d: {  	[sflag:s18] =	ssyncset.done $0x0  }
0x3e: {  	s25 =	sadd.s32 $0x100, s24;
	[sflag:s18] =	ssyncadd.s32 $0xFFFFC000  }
0x3f: {  	[tilespmem:s15], [sflag:$0x1] =	stream.indirect.gather [hbm4b:s4+s14], $0x80, s25, s14, $0xb8;
	[tilespmem:$0x1E800] =	vst v63  }
.Ltmp0:
0x40: {  	_ = 	snop;
	(pc) =	sbr.rel @p0 .LBB2_2-.Ltmp0, $4  }
0x41: {  	s24 =	sadd.s32 $0x1480, s24  }
0x42: {  	[spmem:s2] =	stream.indirect.scatter.add.f32 [tilespmem:s17], [sflag:$0x3], $0x80, s24, s14, $0xb8;
	[tilespmem:$0x1E800] =	vst v63  }
0x43: {  	_ =	swait.ge [sflag:s12], $0x4000  }
0x44: {  	[sflag:s12] =	ssyncset.done $0x0  }
0x45: {  	[sflag:s12] =	ssyncadd.s32 $0xFFFFC000  }
0x46: {  	_ =	swait.ge [sflag:s16], $0x4000  }
0x47: {  	[sflag:s16] =	ssyncset.done $0x0  }
0x48: {  	[sflag:s16] =	ssyncadd.s32 $0xFFFFC000  }
0x49: {  	[tilespmem:s17], [sflag:$0x2] =	stream.indirect.gather [hbm4b:s4+s14], $0x80, s19, s14, $0xb8;
	[tilespmem:$0x1E800] =	vst v63  }
0x4a: {  	_ = 	snop  }
0x4b: {  	[spmem:s2] =	stream.indirect.scatter.add.f32 [tilespmem:s15], [sflag:$0x3], $0x80, s20, s14, $0xb8;
	[tilespmem:$0x1E800] =	vst v63  }
0x4c: {  	_ =	swait.ge [sflag:s12], $0x4000  }
0x4d: {  	[sflag:s12] =	ssyncset.done $0x0  }
0x4e: {  	[sflag:s12] =	ssyncadd.s32 $0xFFFFC000  }
0x4f: {  	_ =	swait.ge [sflag:s18], $0x4000  }
0x50: {  	[sflag:s18] =	ssyncset.done $0x0  }
0x51: {  	[sflag:s18] =	ssyncadd.s32 $0xFFFFC000  }
0x52: {  	[spmem:s2] =	stream.indirect.scatter.add.f32 [tilespmem:s17], [sflag:$0x3], $0x80, s21, s14, $0xb8;
	[tilespmem:$0x1E800] =	vst v63  }
0x53: {  	_ =	swait.ge [sflag:s12], $0x4000  }
0x54: {  	s22 =	sadd.s32 $0x1, s22;
	[sflag:s12] =	ssyncset.done $0x0  }
0x55: {  	p0 =	sne.s32 s22, s10;
	[sflag:s12] =	ssyncadd.s32 $0xFFFFC000  }
.Ltmp1:
0x56: {  	[bflag:$0x0] =	sbarrier.arrive $0xFFFF;
	(pc) =	sbr.rel @p0 .LBB2_1-.Ltmp1, $4  }
0x57: {  	[hbm:s9], [sflag:s6] =	dma.local [spmem:s11], $0x2800  }
0x58: {  	_ =	swait.ge [sflag:s12], $0x2800  }
0x59: {  	[sflag:s12] =	ssyncset.done $0x0  }
0x5a: {  	[sflag:s12] =	ssyncadd.s32 $0xFFFFD800  }
0x5b: {  	_ =	sfence.sel $0x180000  }
0x5c: {  	[bflag:$0x0] =	sbarrier.arrive $0xFFFF  }
0x5d: {  	p0 =	sne.s32 s0, $0x0;
	_ =	strace $0x9000004D  }
0x5e: {  	s0 =	sadd.s32 @!p0 $0x100000, s1;
	[bflag:$0x2] =	sbarrier.arrive $0xFFFF  }
0x5f: {  	[sflag:s0] =	ssyncadd.tile.s32 @!p0 $0x1;
	_ =	shalt  }
.Lfunc_end2:
_tile_overlayer_lowered:
.L_overlay_start_2:
0x60: {  	(tag) =	ssettag $0x2  }
0x61: {  	s0 =	rddreg [dreg:$0x0];
	s2 =	stileid.u32  }
0x62: {  	s1 =	rddreg [dreg:$0x1];
	p0 =	sne.s32 s2, $0x0  }
0x63: {  	s3 =	rddreg [dreg:$0x2];
	[bflag:$0x3] =	sbarrier.arrive $0xFFFF;
	s2 =	simm.s32 @!p0 $0x1C03  }
0x64: {  	[timem:s3], [sflag:s2] =	dma.local @!p0 [hbm:s0], s1  }
0x65: {  	s0 =	simm.s32 @!p0 $0x3  }
0x66: {  	_ =	swait.ge @!p0 [sflag:s0], s1  }
0x67: {  	s1 =	ssub.s32 @!p0 $0x0, s1;
	[sflag:s0] =	ssyncset.done @!p0 $0x0  }
0x68: {  	[sflag:s0] =	ssyncadd.s32 @!p0 s1  }
0x69: {  	[bflag:$0x3] =	sbarrier.arrive $0xFFFF  }
0x6a: {  	_ =	shalt  }

// kernel: kernel.19.cloned.1.call-start
scs
__scs_entry_jumppad:
0x0: {  	(pc) =	sbr.rel $0x88, $3  }
0x1: {  	(tag) =	ssettag $0x0;
	lr =	simm.s32 $0x1  }
0x2: {  	[smem:$0x3F87] =	sst lr;
	_ =	strace $0xD0000000  }
0x3: {  	_ = 	snop  }
0x4: {  	_ = 	snop  }
0x5: {  	_ = 	snop  }
0x6: {  	_ = 	snop  }
0x7: {  	_ = 	snop  }
__scs_overlays_trampoline_lowered:
0x8: {  	[smem:$0x3F96] =	sst s0  }
0x9: {  	[smem:$0x3F97] =	sst s1  }
0xa: {  	[smem:$0x3F98] =	sst s2  }
0xb: {  	[smem:$0x3F99] =	sst s3  }
0xc: {  	[smem:$0x3F9A] =	sst s4  }
0xd: {  	[smem:$0x3F9B] =	sst s5  }
0xe: {  	[smem:$0x3F9C] =	sst s6  }
0xf: {  	[smem:$0x3F9D] =	sst s7  }
0x10: {  	[smem:$0x3F9E] =	sst s8  }
0x11: {  	[smem:$0x3F9F] =	sst s9;
	s0 =	simm.s32 @!p0 $0x0  }
0x12: {  	s1 =	sld [smem:$0x3F85];
	s0 =	simm.s32 @p0 $0x1  }
0x13: {  	[smem:$0x3FA0] =	sst s0;
	s0 =	simm.s32 @!p1 $0x0  }
0x14: {  	s2 =	sld [smem:$0x3F84];
	s0 =	simm.s32 @p1 $0x1  }
0x15: {  	[smem:$0x3FA1] =	sst s0;
	s0 =	simm.s32 @!p2 $0x0  }
0x16: {  	s3 =	sld [smem:$0x3FDB];
	s0 =	simm.s32 @p2 $0x1  }
0x17: {  	s4 =	simm.s32 $0x1BF5;
	[smem:$0x3FA3] =	sst s0  }
0x18: {  	s0 =	sld [smem:$0x3F86];
	_ =	swait.ge [sflag:s4], $0x0  }
0x19: {  	s7 =	sld [smem:$0x3F87]  }
0x1a: {  	s8 =	sadd.s32 $0xFFFFE003, lr  }
0x1b: {  	s9 =	sadd.s32 $0xFFFFFEF7, lr;
	s5 =	simm.s32 $0xFFFFFFFF;
	p2 =	slt.u32 s8, $0xFFFFF086  }
0x1c: {  	p1 =	slt.u32 s9, $0xF7A;
	s5 =	simm.s32 @!p2 $0x0  }
0x1d: {  	s5 =	simm.s32 @p1 $0x1;
	p0 =	seq.s32 s7, s2  }
0x1e: {  	s7 =	smul.u32 @!p0 $0xF7A, s2;
	p2 =	seq.s32 @!p0 s5, $0x0  }
0x1f: {  	s9 =	smul.u32 $0xF7A, s1;
	s8 =	simm.s32 @!p0 $0x1BF5;
	p2 =	por !p2, p0  }
0x20: {  	[sflag:s8] =	ssyncset.s32 @!p0 $0xFFFFF086;
	s6 =	sadd.s32 @!p0 s3, s7;
	s7 =	simm.s32 @!p0 $0x108  }
0x21: {  	s3 =	sadd.s32 s3, s9;
	s6 =	sadd.s32 @!p0 $0x88, s6;
	s7 =	simm.s32 @p2 $0x1082  }
0x22: {  	[simem:s7], [sflag:s8] =	dma.local @!p0 [hbm:s6], $0xF7A  }
0x23: {  	s9 =	sor.u32 $0xD0000000, s2;
	s6 =	simm.s32 $0x108;
	_ =	swait.ge @!p0 [sflag:s8], $0x0  }
0x24: {  	s3 =	sadd.s32 $0x88, s3;
	s6 =	simm.s32 @!p1 $0x1082;
	[sflag:s4] =	ssyncset.s32 $0xFFFFF086  }
0x25: {  	[simem:s6], [sflag:s4] =	dma.local [hbm:s3], $0xF7A  }
0x26: {  	[smem:$0x3F87] =	sst s1;
	(tag) =	ssettag s2;
	_ =	strace s9  }
0x27: {  	s1 =	sld [smem:$0x3F97]  }
0x28: {  	s2 =	sld [smem:$0x3F98]  }
0x29: {  	s4 =	sld [smem:$0x3F9A]  }
0x2a: {  	p0 =	seq.s32 s5, $0x0;
	s5 =	sld [smem:$0x3F9B]  }
0x2b: {  	s6 =	sld [smem:$0x3F9C]  }
0x2c: {  	s7 =	sld [smem:$0x3F9D]  }
0x2d: {  	s3 =	simm.s32 $0x108;
	s8 =	sld [smem:$0x3F9E]  }
0x2e: {  	s3 =	simm.s32 @!p0 $0x1082;
	s9 =	sld [smem:$0x3F9F]  }
0x2f: {  	lr =	sadd.s32 s0, s3;
	s0 =	sld [smem:$0x3F96]  }
0x30: {  	s3 =	sld [smem:$0x3F99]  }
0x31: {  	[smem:$0x3FA2] =	sst s10  }
0x32: {  	s10 =	sld [smem:$0x3FA0];
	_ =	sdelay $0x3  }
0x33: {  	p0 =	seq.s32 s10, $0x1;
	s10 =	sld [smem:$0x3FA2];
	_ =	sdelay $0x3  }
0x34: {  	[smem:$0x3FA2] =	sst s10  }
0x35: {  	s10 =	sld [smem:$0x3FA1];
	_ =	sdelay $0x3  }
0x36: {  	p1 =	seq.s32 s10, $0x1;
	s10 =	sld [smem:$0x3FA2];
	_ =	sdelay $0x3  }
0x37: {  	[smem:$0x3FA2] =	sst s10  }
0x38: {  	s10 =	sld [smem:$0x3FA3]  }
0x39: {  	_ = 	snop;
	(pc) =	sbr.ind lr, $3  }
0x3a: {  	_ = 	snop  }
0x3b: {  	_ = 	snop  }
0x3c: {  	p2 =	seq.s32 s10, $0x1;
	s10 =	sld [smem:$0x3FA2]  }
0x3d: {  	_ =	shalt  }
0x3e: {  	_ =	shalt  }
0x3f: {  	_ =	shalt  }
0x40: {  	_ =	shalt  }
0x41: {  	_ =	shalt  }
0x42: {  	_ =	shalt  }
0x43: {  	_ =	shalt  }
0x44: {  	_ =	shalt  }
0x45: {  	_ =	shalt  }
0x46: {  	_ =	shalt  }
0x47: {  	_ =	shalt  }
0x48: {  	_ =	shalt  }
0x49: {  	_ =	shalt  }
0x4a: {  	_ =	shalt  }
0x4b: {  	_ =	shalt  }
0x4c: {  	_ =	shalt  }
0x4d: {  	_ =	shalt  }
0x4e: {  	_ =	shalt  }
0x4f: {  	_ =	shalt  }
0x50: {  	_ =	shalt  }
0x51: {  	_ =	shalt  }
0x52: {  	_ =	shalt  }
0x53: {  	_ =	shalt  }
0x54: {  	_ =	shalt  }
0x55: {  	_ =	shalt  }
0x56: {  	_ =	shalt  }
0x57: {  	_ =	shalt  }
0x58: {  	_ =	shalt  }
0x59: {  	_ =	shalt  }
0x5a: {  	_ =	shalt  }
0x5b: {  	_ =	shalt  }
0x5c: {  	_ =	shalt  }
0x5d: {  	_ =	shalt  }
0x5e: {  	_ =	shalt  }
0x5f: {  	_ =	shalt  }
0x60: {  	_ =	shalt  }
0x61: {  	_ =	shalt  }
0x62: {  	_ =	shalt  }
0x63: {  	_ =	shalt  }
0x64: {  	_ =	shalt  }
0x65: {  	_ =	shalt  }
0x66: {  	_ =	shalt  }
0x67: {  	_ =	shalt  }
0x68: {  	_ =	shalt  }
0x69: {  	_ =	shalt  }
0x6a: {  	_ =	shalt  }
0x6b: {  	_ =	shalt  }
0x6c: {  	_ =	shalt  }
0x6d: {  	_ =	shalt  }
0x6e: {  	_ =	shalt  }
0x6f: {  	_ =	shalt  }
0x70: {  	_ =	shalt  }
0x71: {  	_ =	shalt  }
0x72: {  	_ =	shalt  }
0x73: {  	_ =	shalt  }
0x74: {  	_ =	shalt  }
0x75: {  	_ =	shalt  }
0x76: {  	_ =	shalt  }
0x77: {  	_ =	shalt  }
0x78: {  	_ =	shalt  }
0x79: {  	_ =	shalt  }
0x7a: {  	_ =	shalt  }
0x7b: {  	_ =	shalt  }
0x7c: {  	_ =	shalt  }
0x7d: {  	_ =	shalt  }
0x7e: {  	_ =	shalt  }
0x7f: {  	_ =	shalt  }
0x80: {  	_ =	shalt  }
0x81: {  	_ =	shalt  }
0x82: {  	_ =	shalt  }
0x83: {  	_ =	shalt  }
0x84: {  	_ =	shalt  }
0x85: {  	_ =	shalt  }
0x86: {  	_ =	shalt  }
0x87: {  	_ =	shalt  }
.Lfunc_end0:
.L_simem_size_0:
called_computation.3_lowered:
.L_overlay_start_0:
0x88: {  	s2 =	sld [smem:$0x3FD9]  }
0x89: {  	s3 =	sld [smem:$0x3FFE];
	_ =	sdelay $0x1  }
0x8a: {  	s1 =	srdreg.scid  }
0x8b: {  	s0 =	sand.u32 $0x1, s1  }
0x8c: {  	s16 =	sshll.u32 s0, $0xA;
	s2 =	sadd.s32 s3, s2  }
0x8d: {  	s2 =	sadd.s32 s2, s16  }
0x8e: {  	[smem:$0x3FAE] =	sst s2  }
0x8f: {  	_ = 	snop  }
0x90: {  	(tm) =	ssettm $0x1  }
0x91: {  	s17 =	sld [smem:$0x3FFB];
	_ =	sdelay $0x3  }
0x92: {  	_ =	strace s17  }
0x93: {  	s2 =	sld [smem:$0x3FFC];
	_ =	sdelay $0x3  }
0x94: {  	_ =	strace s2  }
0x95: {  	s2 =	sld [smem:$0x3FFD];
	_ =	sdelay $0x3  }
0x96: {  	_ =	strace s2  }
0x97: {  	_ =	strace $0x8FFFFFFF  }
0x98: {  	s18 =	sld [smem:$0x3FDB];
	_ =	sdelay $0x1  }
0x99: {  	s19 =	simm.s32 $_scs_section_size  }
0x9a: {  	s4 =	simm.s32 $_size__tile_overlayer_lowered;
	s5 =	simm.s32 $_tile_overlayer_lowered  }
0x9b: {  	s22 =	simm.s32 $0x1BFF;
	s21 =	sshll.u32 s5, $0x1;
	s2 =	sadd.s32 s19, s18  }
0x9c: {  	s6 =	simm.s32 $0x0;
	s20 =	sshll.u32 s4, $0x1;
	s4 =	sadd.s32 s21, s2  }
0x9d: {  	[timem:s6], [sflag:s22] =	dma.local [hbm:s4], s20  }
0x9e: {  	_ =	swait.ge [sflag:s22], s20  }
0x9f: {  	s3 =	ssub.s32 $0x0, s20;
	[sflag:s22] =	ssyncset.done $0x0  }
0xa0: {  	[sflag:s22] =	ssyncadd.s32 s3;
	_ =	sdelay $0x1  }
0xa1: {  	s23 =	simm.s32 $0x1B8B  }
0xa2: {  	_ =	swait.ge [sflag:s23], $0x1  }
0xa3: {  	[sflag:s23] =	ssyncset.done $0x0  }
0xa4: {  	s25 =	simm.s32 $0x1B8E;
	s24 =	sld [smem:$0x3FFE];
	[sflag:s23] =	ssyncadd.s32 $0xFFFFFFFF  }
0xa5: {  	s26 =	simm.s32 $execute0_lowered;
	[smem:$0x3FD2] =	sst s25  }
0xa6: {  	s4 =	sshll.u32 s26, $0x1;
	_ =	strace $0x8000004F;
	[dreg:$0x1] =	wrdreg $0xFFFFFFFF  }
0xa7: {  	s28 =	simm.s32 $_size_execute0_lowered;
	s2 =	sadd.s32 s2, s4;
	[dreg:$0x0] =	wrdreg $0x0  }
0xa8: {  	s4 =	sshll.u32 s28, $0x1;
	[dreg:$0x2] =	wrdreg s2  }
0xa9: {  	[dreg:$0x3] =	wrdreg s4  }
0xaa: {  	[dreg:$0x4] =	wrdreg $0xC0  }
0xab: {  	_ =	task [dreg:s6], $0x5FFFF  }
0xac: {  	[dreg:$0x1] =	wrdreg $0xFFFFFFFF  }
0xad: {  	[dreg:$0x0] =	wrdreg $0x60  }
0xae: {  	[dreg:$0x2] =	wrdreg s24  }
0xaf: {  	[dreg:$0x3] =	wrdreg $0x48000  }
0xb0: {  	[dreg:$0x4] =	wrdreg $0x9  }
0xb1: {  	_ =	task.clear_ibuf [dreg:s6], $0x5FFFF;
	_ =	strace $0x9000004F  }
0xb2: {  	s29 =	simm.s32 $0x9;
	_ =	strace $0x80000051  }
0xb3: {  	_ =	swait.ge [sflag:s29], $0x1  }
0xb4: {  	[sflag:s29] =	ssyncadd.s32 $0xFFFFFFFF  }
0xb5: {  	_ =	strace $0x90000051  }
0xb6: {  	_ =	sfence  }
0xb7: {  	s30 =	sld [smem:$0x0];
	_ =	sdelay $0x2  }
0xb8: {  	s31 =	sshll.u32 s1, $0xD;
	s1 =	sshrl.u32 s1, $0x2  }
0xb9: {  	s3 =	sand.u32 $0x4000, s31;
	s1 =	sadd.s32 s1, s30  }
0xba: {  	s0 =	sor.u32 s3, s0;
	s1 =	sshll.u32 s1, $0x11  }
0xbb: {  	s0 =	sor.u32 s1, s0  }
0xbc: {  	s0 =	sadd.s32 $0x8F2B, s0  }
0xbd: {  	[sflag:s0] =	ssyncadd.remote.s32 $0x1  }
0xbe: {  	_ =	sfence.sel $0xFFFF  }
0xbf: {  	[dreg:$0x0] =	wrdreg $0xFFFFFFFF;
	(pc) =	sbr.abs _section_cstart, $3  }
0xc0: {  	[dreg:$0x1] =	wrdreg $0xFFFFFFFF  }
0xc1: {  	_ =	task.clear_ibuf [dreg:s6], $0x2FFFF;
	_ =	strace $0x9FFFFFFF  }
0xc2: {  	(tm) =	ssettm $0x7FFFFFFF  }
0xc3: {  	_ =	shalt  }
tec
execute0_lowered:
.L_overlay_start_1:
0x0: {  	(tag) =	ssettag $0x1  }
0x1: {  	s1 =	srdreg.scid;
	s6 =	rddreg [dreg:$0x0]  }
0x2: {  	s0 =	stileid.u32;
	s2 =	rddreg [dreg:$0x1];
	s3 =	simm.s32 $0x0  }
0x3: {  	s14 =	simm.s32 $0x80;
	s15 =	simm.s32 $0x2800;
	s16 =	simm.s32 $0x1  }
0x4: {  	s17 =	simm.s32 $0x3800;
	s18 =	simm.s32 $0x2;
	s19 =	simm.s32 $0x1380  }
0x5: {  	s20 =	simm.s32 $0x2700;
	s21 =	simm.s32 $0x2780;
	s22 =	simm.s32 $0x0  }
0x6: {  	s5 =	sand.u32 $0x1, s1;
	s26 =	sshll.u32 s0, $0x1;
	s8 =	smul.u32 $0x5000, s0  }
0x7: {  	[smem:$0x7FF] =	sst s3;
	s4 =	sadd.s32 $0x9400, s6;
	s31 =	sshll.u32 s0, $0x6  }
0x8: {  	s1 =	sor.u32 s5, s26;
	s9 =	smul.u32 $0x50000, s5;
	s5 =	ssub.s32 $0x2, s5  }
0x9: {  	s7 =	smul.u32 $0x280, s1;
	s1 =	rddreg [dreg:$0x2];
	_ =	strace $0x80000050  }
0xa: {  	s29 =	sshrl.u32 s8, $0x3;
	s30 =	sshrl.u32 s5, $0x1;
	s13 =	sadd.s32 s8, s2  }
0xb: {  	s28 =	sadd.s32 s8, s9;
	s9 =	sadd.s32 s29, s6;
	s12 =	ssub.s32 s5, s30  }
0xc: {  	s10 =	sadd.s32 s7, s6;
	s7 =	sshrl.u32 s28, $0x3;
	s5 =	sadd.s32 $0x6D400, s9  }
0xd: {  	s11 =	sadd.s32 s7, s6;
	s6 =	sor.u32 $0x1C03, s31;
	s7 =	sadd.s32 $0x4400, s10  }
0xe: {  	s8 =	sadd.s32 $0x18400, s10;
	s10 =	smax.u32 s12, $0x1;
	s12 =	simm.s32 $0x3  }
0xf: {  	s9 =	sadd.s32 $0x77400, s11;
	s11 =	sshrl.u32 s13, $0x3;
	s13 =	simm.s32 $0x1400  }
.LBB2_1:
0x10: {  	[spmem:s11], [sflag:s6] =	dma.local [hbm:s5], $0xA00  }
0x11: {  	_ =	swait.ge [sflag:s12], $0xA00  }
0x12: {  	[sflag:s12] =	ssyncset.done $0x0  }
0x13: {  	[sflag:s12] =	ssyncadd.s32 $0xFFFFF600  }
0x14: {  	[tilespmem:s3], [sflag:$0x3] =	stream.linear.gather [hbm4b:s7+s3], $0x1400, $0x38;
	[tilespmem:$0x9800] =	vst v63  }
0x15: {  	_ =	swait.ge [sflag:s12], $0x1400  }
0x16: {  	[sflag:s12] =	ssyncset.done $0x0  }
0x17: {  	[sflag:s12] =	ssyncadd.s32 $0xFFFFEC00  }
0x18: {  	[tilespmem:s13], [sflag:$0x3] =	stream.linear.gather [hbm4b:s8+s3], $0x1400, $0x38;
	[tilespmem:$0x9800] =	vst v63  }
0x19: {  	_ =	swait.ge [sflag:s12], $0x1400  }
0x1a: {  	[sflag:s12] =	ssyncset.done $0x0  }
0x1b: {  	[sflag:s12] =	ssyncadd.s32 $0xFFFFEC00  }
0x1c: {  	[bflag:$0x0] =	sbarrier.arrive $0xFFFF  }
0x1d: {  	[tilespmem:s15], [sflag:$0x1] =	stream.indirect.gather [hbm4b:s4+s14], $0x20, s3, s14, $0xb8;
	[tilespmem:$0x9800] =	vst v63  }
0x1e: {  	_ =	swait.ge [sflag:s16], $0x1000  }
0x1f: {  	[sflag:s16] =	ssyncset.done $0x0  }
0x20: {  	s23 =	simm.s32 $0x80;
	[sflag:s16] =	ssyncadd.s32 $0xFFFFF000  }
0x21: {  	[tilespmem:s17], [sflag:$0x2] =	stream.indirect.gather [hbm4b:s4+s14], $0x20, s23, s14, $0xb8;
	[tilespmem:$0x9800] =	vst v63  }
0x22: {  	s29 =	simm.s32 $0x1400  }
0x23: {  	[spmem:s2] =	stream.indirect.scatter.add.f32 [tilespmem:s15], [sflag:$0x3], $0x20, s29, s14, $0xb8;
	[tilespmem:$0x9800] =	vst v63  }
0x24: {  	_ =	swait.ge [sflag:s12], $0x1000  }
0x25: {  	[sflag:s12] =	ssyncset.done $0x0  }
0x26: {  	[sflag:s12] =	ssyncadd.s32 $0xFFFFF000  }
0x27: {  	_ =	swait.ge [sflag:s18], $0x1000  }
0x28: {  	[sflag:s18] =	ssyncset.done $0x0  }
0x29: {  	s30 =	simm.s32 $0x100;
	[sflag:s18] =	ssyncadd.s32 $0xFFFFF000  }
0x2a: {  	[tilespmem:s15], [sflag:$0x1] =	stream.indirect.gather [hbm4b:s4+s14], $0x20, s30, s14, $0xb8;
	[tilespmem:$0x9800] =	vst v63  }
0x2b: {  	s31 =	simm.s32 $0x1480  }
0x2c: {  	[spmem:s2] =	stream.indirect.scatter.add.f32 [tilespmem:s17], [sflag:$0x3], $0x20, s31, s14, $0xb8;
	[tilespmem:$0x9800] =	vst v63  }
0x2d: {  	_ =	swait.ge [sflag:s12], $0x1000  }
0x2e: {  	s23 =	simm.s32 $0x400;
	[sflag:s12] =	ssyncset.done $0x0  }
.LBB2_2:
0x2f: {  	p0 =	sne.s32 s23, $0x4800  }
0x30: {  	[sflag:s12] =	ssyncadd.s32 $0xFFFFF000;
	s24 =	smov.u32 s23;
	s23 =	sadd.s32 $0x400, s23  }
0x31: {  	_ = 	snop  }
0x32: {  	_ =	swait.ge [sflag:s16], $0x1000  }
0x33: {  	s24 =	sshra.s32 s24, $0x2;
	[sflag:s16] =	ssyncset.done $0x0  }
0x34: {  	s25 =	sadd.s32 $0x80, s24;
	[sflag:s16] =	ssyncadd.s32 $0xFFFFF000  }
0x35: {  	[tilespmem:s17], [sflag:$0x2] =	stream.indirect.gather [hbm4b:s4+s14], $0x20, s25, s14, $0xb8;
	[tilespmem:$0x9800] =	vst v63  }
0x36: {  	s25 =	sadd.s32 $0x1400, s24  }
0x37: {  	[spmem:s2] =	stream.indirect.scatter.add.f32 [tilespmem:s15], [sflag:$0x3], $0x20, s25, s14, $0xb8;
	[tilespmem:$0x9800] =	vst v63  }
0x38: {  	_ =	swait.ge [sflag:s12], $0x1000  }
0x39: {  	[sflag:s12] =	ssyncset.done $0x0  }
0x3a: {  	[sflag:s12] =	ssyncadd.s32 $0xFFFFF000  }
0x3b: {  	_ =	swait.ge [sflag:s18], $0x1000  }
0x3c: {  	[sflag:s18] =	ssyncset.done $0x0  }
0x3d: {  	s25 =	sadd.s32 $0x100, s24;
	[sflag:s18] =	ssyncadd.s32 $0xFFFFF000  }
0x3e: {  	[tilespmem:s15], [sflag:$0x1] =	stream.indirect.gather [hbm4b:s4+s14], $0x20, s25, s14, $0xb8;
	[tilespmem:$0x9800] =	vst v63  }
.Ltmp0:
0x3f: {  	_ = 	snop;
	(pc) =	sbr.rel @p0 .LBB2_2-.Ltmp0, $4  }
0x40: {  	s24 =	sadd.s32 $0x1480, s24  }
0x41: {  	[spmem:s2] =	stream.indirect.scatter.add.f32 [tilespmem:s17], [sflag:$0x3], $0x20, s24, s14, $0xb8;
	[tilespmem:$0x9800] =	vst v63  }
0x42: {  	_ =	swait.ge [sflag:s12], $0x1000  }
0x43: {  	[sflag:s12] =	ssyncset.done $0x0  }
0x44: {  	[sflag:s12] =	ssyncadd.s32 $0xFFFFF000  }
0x45: {  	_ =	swait.ge [sflag:s16], $0x1000  }
0x46: {  	[sflag:s16] =	ssyncset.done $0x0  }
0x47: {  	[sflag:s16] =	ssyncadd.s32 $0xFFFFF000  }
0x48: {  	[tilespmem:s17], [sflag:$0x2] =	stream.indirect.gather [hbm4b:s4+s14], $0x20, s19, s14, $0xb8;
	[tilespmem:$0x9800] =	vst v63  }
0x49: {  	_ = 	snop  }
0x4a: {  	[spmem:s2] =	stream.indirect.scatter.add.f32 [tilespmem:s15], [sflag:$0x3], $0x20, s20, s14, $0xb8;
	[tilespmem:$0x9800] =	vst v63  }
0x4b: {  	_ =	swait.ge [sflag:s12], $0x1000  }
0x4c: {  	[sflag:s12] =	ssyncset.done $0x0  }
0x4d: {  	[sflag:s12] =	ssyncadd.s32 $0xFFFFF000  }
0x4e: {  	_ =	swait.ge [sflag:s18], $0x1000  }
0x4f: {  	[sflag:s18] =	ssyncset.done $0x0  }
0x50: {  	[sflag:s18] =	ssyncadd.s32 $0xFFFFF000  }
0x51: {  	[spmem:s2] =	stream.indirect.scatter.add.f32 [tilespmem:s17], [sflag:$0x3], $0x20, s21, s14, $0xb8;
	[tilespmem:$0x9800] =	vst v63  }
0x52: {  	_ =	swait.ge [sflag:s12], $0x1000  }
0x53: {  	s22 =	sadd.s32 $0x1, s22;
	[sflag:s12] =	ssyncset.done $0x0  }
0x54: {  	p0 =	sne.s32 s22, s10;
	[sflag:s12] =	ssyncadd.s32 $0xFFFFF000  }
.Ltmp1:
0x55: {  	[bflag:$0x0] =	sbarrier.arrive $0xFFFF;
	(pc) =	sbr.rel @p0 .LBB2_1-.Ltmp1, $4  }
0x56: {  	[hbm:s9], [sflag:s6] =	dma.local [spmem:s11], $0xA00  }
0x57: {  	_ =	swait.ge [sflag:s12], $0xA00  }
0x58: {  	[sflag:s12] =	ssyncset.done $0x0  }
0x59: {  	[sflag:s12] =	ssyncadd.s32 $0xFFFFF600  }
0x5a: {  	_ =	sfence.sel $0x180000  }
0x5b: {  	[bflag:$0x0] =	sbarrier.arrive $0xFFFF  }
0x5c: {  	p0 =	sne.s32 s0, $0x0;
	_ =	strace $0x90000050  }
0x5d: {  	s0 =	sadd.s32 @!p0 $0x100000, s1;
	[bflag:$0x2] =	sbarrier.arrive $0xFFFF  }
0x5e: {  	[sflag:s0] =	ssyncadd.tile.s32 @!p0 $0x1;
	_ =	shalt  }
.Lfunc_end2:
_tile_overlayer_lowered:
.L_overlay_start_2:
0x5f: {  	(tag) =	ssettag $0x2  }
0x60: {  	s0 =	rddreg [dreg:$0x0];
	s2 =	stileid.u32  }
0x61: {  	s1 =	rddreg [dreg:$0x1];
	p0 =	sne.s32 s2, $0x0  }
0x62: {  	s3 =	rddreg [dreg:$0x2];
	[bflag:$0x3] =	sbarrier.arrive $0xFFFF;
	s2 =	simm.s32 @!p0 $0x1C03  }
0x63: {  	[timem:s3], [sflag:s2] =	dma.local @!p0 [hbm:s0], s1  }
0x64: {  	s0 =	simm.s32 @!p0 $0x3  }
0x65: {  	_ =	swait.ge @!p0 [sflag:s0], s1  }
0x66: {  	s1 =	ssub.s32 @!p0 $0x0, s1;
	[sflag:s0] =	ssyncset.done @!p0 $0x0  }
0x67: {  	[sflag:s0] =	ssyncadd.s32 @!p0 s1  }
0x68: {  	[bflag:$0x3] =	sbarrier.arrive $0xFFFF  }
0x69: {  	_ =	shalt  }

</sc_bundles>
